<compile_context>
chip_gen: v7x
topology: tpu7x:2x2x1
jax: 0.10.2.dev20260603
libtpu: 0.0.44.dev20260713+nightly
codegen_flags: <defaults>
</compile_context>

<pallas_src>
import functools
import math

import jax
import jax.numpy as jnp
from jax import lax
from jax.experimental import pallas as pl
from jax.experimental.pallas import tpu as pltpu
from jax.experimental.pallas import tpu_sc as plsc

VOCAB = 1000000
D = 64
DP = 128
T = 200
SCALE = math.sqrt(D)
B = 4096

NC = 2
NS = 16
NW = NC * NS
LANES = 16
VPR = D // LANES
CH = 128
ROWS_PER_W = B * T // NW
NCHUNK = ROWS_PER_W // CH
PE2 = T + CH
NIB = 6
NBG = 3
XW = 512


def _pos_encoding():
    position = jnp.arange(0, T, dtype=jnp.float32)[:, None]
    div_term = jnp.exp(
        jnp.arange(0, D, 2, dtype=jnp.float32) * (-(math.log(10000.0) / D)))
    pe = jnp.zeros((T, D), dtype=jnp.float32)
    pe = pe.at[:, 0::2].set(jnp.sin(position * div_term))
    pe = pe.at[:, 1::2].set(jnp.cos(position * div_term))
    return pe


@functools.partial(
    pl.kernel,
    mesh=plsc.VectorSubcoreMesh(core_axis_name="c", subcore_axis_name="s"),
    out_type=jax.ShapeDtypeStruct((B, T, D), jnp.float32),
    scratch_types=[
        pltpu.VMEM((PE2, D), jnp.float32),
        pltpu.VMEM((NIB, CH), jnp.int32),
        pltpu.VMEM((NBG, CH, DP), jnp.float32),
        pltpu.VMEM((2, CH, D), jnp.float32),
        pltpu.SemaphoreType.DMA((NIB,)),
        pltpu.SemaphoreType.DMA((NBG,)),
        pltpu.SemaphoreType.DMA((2,)),
    ],
    compiler_params=pltpu.CompilerParams(use_tc_tiling_on_sc=True),
)
def _emb_kernel(x_hbm, tab_hbm, pe_hbm, out_hbm, pe_v, idx_v, rows_v, out_v,
                sem_i, sem_g, sem_wb):
    wid = lax.axis_index("s") * NC + lax.axis_index("c")
    pltpu.sync_copy(pe_hbm, pe_v)
    out_flat = out_hbm.reshape(B * T, D)
    chunk0 = wid * NCHUNK

    def idx_issue(chunk):
        pltpu.async_copy(
            x_hbm.at[chunk0 + chunk, pl.ds(0, CH)],
            idx_v.at[lax.rem(chunk, NIB)],
            sem_i.at[lax.rem(chunk, NIB)])

    def idx_wait(chunk):
        pltpu.make_async_copy(
            x_hbm.at[chunk0 + chunk, pl.ds(0, CH)],
            idx_v.at[lax.rem(chunk, NIB)],
            sem_i.at[lax.rem(chunk, NIB)]).wait()

    def gather_issue(chunk, buf):
        pltpu.async_copy(
            tab_hbm.at[idx_v.at[lax.rem(chunk, NIB)]],
            rows_v.at[buf], sem_g.at[buf])

    def gather_wait(chunk, buf):
        pltpu.make_async_copy(
            tab_hbm.at[idx_v.at[lax.rem(chunk, NIB)]],
            rows_v.at[buf], sem_g.at[buf]).wait()

    def wb_issue(chunk, buf):
        base = (chunk0 + chunk) * CH
        pltpu.async_copy(out_v.at[buf], out_flat.at[pl.ds(base, CH)],
                         sem_wb.at[buf])

    def wb_wait(chunk, buf):
        base = (chunk0 + chunk) * CH
        pltpu.make_async_copy(
            out_v.at[buf], out_flat.at[pl.ds(base, CH)],
            sem_wb.at[buf]).wait()

    for c in range(NIB - 1):
        idx_issue(c)
    for c in range(NBG - 1):
        idx_wait(c)
        gather_issue(c, c % NBG)

    def chunk_body(i, _):
        b = lax.rem(i, NBG)
        bo = lax.rem(i, 2)
        gather_wait(i, b)

        @pl.when(i >= 2)
        def _():
            wb_wait(i - 2, bo)

        p0 = lax.rem((chunk0 + i) * CH, T)

        def row_body(r8, _):
            r0 = r8 * 8
            for rr in range(8):
                r = r0 + rr
                for d in range(VPR):
                    sl = pl.ds(d * LANES, LANES)
                    out_v[bo, r, sl] = (
                        rows_v[b, r, sl] * SCALE + pe_v[p0 + r, sl])
            return ()

        lax.fori_loop(0, CH // 8, row_body, ())
        wb_issue(i, bo)

        @pl.when(i + NIB - 1 < NCHUNK)
        def _():
            idx_issue(i + NIB - 1)

        @pl.when(i + NBG - 1 < NCHUNK)
        def _():
            idx_wait(i + NBG - 1)
            gather_issue(i + NBG - 1, lax.rem(i + NBG - 1, NBG))

        return ()

    lax.fori_loop(0, NCHUNK, chunk_body, ())
    for j in range(NCHUNK - 2, NCHUNK):
        wb_wait(j, j % 2)


def kernel(x, tok_emb):
    pe = _pos_encoding()
    pe2 = jnp.concatenate([pe, pe[:CH]], axis=0)
    tabp = jnp.pad(tok_emb, ((0, 0), (0, DP - D)))
    x2 = jnp.pad(x.reshape(B * T // CH, CH).astype(jnp.int32),
                 ((0, 0), (0, XW - CH)))
    return _emb_kernel(x2, tabp, pe2)

# --- scband reference (transcript-rebuilt; emitter-appended) ---
"""Pipeline reference for scband-embeddings-41154376630916 (READ-ONLY COPY).

The authoritative reference and input builder live on the scoring server;
editing this copy changes nothing except your own understanding.
"""

import jax, jax.numpy as jnp
import numpy as np
import math

VOCAB = 1000000
EMB_DIM = 64
MAX_LEN = 200
SCALE = math.sqrt(EMB_DIM)


def _positional_encoding(max_len, emb_dim):
    position = jnp.arange(0, max_len, dtype=jnp.float32)[:, None]
    div_term = jnp.exp(jnp.arange(0, emb_dim, 2, dtype=jnp.float32) * (-(math.log(10000.0) / emb_dim)))
    pe = jnp.zeros((max_len, emb_dim), dtype=jnp.float32)
    pe = pe.at[:, 0::2].set(jnp.sin(position * div_term))
    pe = pe.at[:, 1::2].set(jnp.cos(position * div_term))
    return pe[None, :, :]  # [1, max_len, emb_dim]


def setup_inputs(seed: int = 0) -> dict:
    key = jax.random.key(seed)
    k1, k2 = jax.random.split(key)
    x = jax.random.randint(k1, (4096, 200), 0, VOCAB, dtype=jnp.int64 if jax.config.jax_enable_x64 else jnp.int32)
    tok_emb = jax.random.normal(k2, (VOCAB, EMB_DIM), dtype=jnp.float32) * 0.02
    return {"x": x, "tok_emb": tok_emb}


def reference(x, tok_emb):
    # out = tok_emb(x) * scale
    out = jnp.take(tok_emb, x, axis=0) * SCALE
    # positional encoding add (dropout ratio 0.0 -> identity)
    pe = _positional_encoding(MAX_LEN, EMB_DIM)
    out = out + pe[:, :out.shape[1]]
    # emb_dim == hidden_dim -> no fc layer
    return out

if __name__ == "__main__":
    import jax
    _d = setup_inputs()
    print(jax.jit(kernel)(*tuple(_d.values())))

</pallas_src>

<mosaic_0001>
#map = affine_map<(d0, d1) -> (0, 0)>
#map1 = affine_map<(d0, d1) -> (0, 0, 0)>
module attributes {stable_mosaic.version = 14 : i64} {
  func.func @_emb_kernel(%arg0: i32, %arg1: i32, %arg2: memref<6400x512xi32, #tpu.memory_space<hbm>>, %arg3: memref<1000000x128xf32, #tpu.memory_space<hbm>>, %arg4: memref<328x64xf32, #tpu.memory_space<hbm>>, %arg5: memref<4096x200x64xf32, #tpu.memory_space<hbm>>, %arg6: memref<328x64xf32, #tpu.memory_space<vmem>>, %arg7: memref<6x128xi32, #tpu.memory_space<vmem>>, %arg8: memref<3x128x128xf32, #tpu.memory_space<vmem>>, %arg9: memref<2x128x64xf32, #tpu.memory_space<vmem>>, %arg10: memref<6x!tpu.dma_semaphore, #tpu.memory_space<semaphore_mem>>, %arg11: memref<3x!tpu.dma_semaphore, #tpu.memory_space<semaphore_mem>>, %arg12: memref<2x!tpu.dma_semaphore, #tpu.memory_space<semaphore_mem>>) attributes {dimension_semantics = [#tpu.dimension_semantics<core_parallel>, #tpu.dimension_semantics<subcore_parallel>], iteration_bounds = array<i64: 2, 16>, scalar_prefetch = 0 : i64, scratch_operands = 7 : i64, tpu.core_type = #tpu.core_type<sc_vector_subcore>, window_params = [{transform_indices = #map}, {transform_indices = #map}, {transform_indices = #map}, {transform_indices = #map1}]} {
    %mul3A = arith.constant 2 : i32
    %mul3A_0 = arith.muli %arg1, %mul3A : i32
    %add3A = arith.addi %mul3A_0, %arg0 : i32
    "tpu.region"() ({
      %run_scoped3A = tpu.sem_alloc : memref<!tpu.dma_semaphore, #tpu.memory_space<semaphore_mem>>
      tpu.enqueue_dma source(%arg4 : memref<328x64xf32, #tpu.memory_space<hbm>>) target(%arg6 : memref<328x64xf32, #tpu.memory_space<vmem>>) target_semaphore(%run_scoped3A : memref<!tpu.dma_semaphore, #tpu.memory_space<semaphore_mem>>)
      tpu.wait_dma2 semaphore(%run_scoped3A : memref<!tpu.dma_semaphore, #tpu.memory_space<semaphore_mem>>) src(%arg4 : memref<328x64xf32, #tpu.memory_space<hbm>>) dst(%arg6 : memref<328x64xf32, #tpu.memory_space<vmem>>)
      tpu.yield
    }) : () -> ()
    %mul3A_1 = arith.constant 200 : i32
    %mul3A_2 = arith.muli %add3A, %mul3A_1 : i32
    %add3A_3 = arith.constant 0 : i32
    %add3A_4 = arith.addi %mul3A_2, %add3A_3 : i32
    %rem3A = arith.constant 0 : i32
    %rem3A_5 = arith.constant 6 : i32
    %rem3A_6 = arith.remsi %rem3A, %rem3A_5 : i32
    %rem3A_7 = arith.constant 0 : i32
    %rem3A_8 = arith.constant 6 : i32
    %rem3A_9 = arith.remsi %rem3A_7, %rem3A_8 : i32
    %dma_start3A = arith.constant 0 : i32
    %dma_start3A_10 = tpu.memref_slice %arg7[%rem3A_6, %dma_start3A] : memref<6x128xi32, #tpu.memory_space<vmem>> -> memref<1x128xi32, #tpu.memory_space<vmem>>
    %dma_start3A_11 = tpu.memref_squeeze %dma_start3A_10 : memref<1x128xi32, #tpu.memory_space<vmem>> -> memref<128xi32, #tpu.memory_space<vmem>>
    %dma_start3A_12 = arith.constant 0 : i32
    %dma_start3A_13 = tpu.memref_slice %arg2[%add3A_4, %dma_start3A_12] : memref<6400x512xi32, #tpu.memory_space<hbm>> -> memref<1x128xi32, #tpu.memory_space<hbm>>
    %dma_start3A_14 = tpu.memref_squeeze %dma_start3A_13 : memref<1x128xi32, #tpu.memory_space<hbm>> -> memref<128xi32, #tpu.memory_space<hbm>>
    %dma_start3A_15 = tpu.memref_slice %arg10[%rem3A_9] : memref<6x!tpu.dma_semaphore, #tpu.memory_space<semaphore_mem>> -> memref<1x!tpu.dma_semaphore, #tpu.memory_space<semaphore_mem>>
    %dma_start3A_16 = tpu.memref_squeeze %dma_start3A_15 : memref<1x!tpu.dma_semaphore, #tpu.memory_space<semaphore_mem>> -> memref<!tpu.dma_semaphore, #tpu.memory_space<semaphore_mem>>
    %dma_start3A_17 = arith.constant 0 : i32
    %dma_start3A_18 = tpu.memref_slice %arg7[%rem3A_6, %dma_start3A_17] : memref<6x128xi32, #tpu.memory_space<vmem>> -> memref<1x128xi32, #tpu.memory_space<vmem>>
    %dma_start3A_19 = tpu.memref_squeeze %dma_start3A_18 : memref<1x128xi32, #tpu.memory_space<vmem>> -> memref<128xi32, #tpu.memory_space<vmem>>
    %dma_start3A_20 = arith.constant 0 : i32
    %dma_start3A_21 = tpu.memref_slice %arg2[%add3A_4, %dma_start3A_20] : memref<6400x512xi32, #tpu.memory_space<hbm>> -> memref<1x128xi32, #tpu.memory_space<hbm>>
    %dma_start3A_22 = tpu.memref_squeeze %dma_start3A_21 : memref<1x128xi32, #tpu.memory_space<hbm>> -> memref<128xi32, #tpu.memory_space<hbm>>
    tpu.enqueue_dma source(%dma_start3A_22 : memref<128xi32, #tpu.memory_space<hbm>>) target(%dma_start3A_19 : memref<128xi32, #tpu.memory_space<vmem>>) target_semaphore(%dma_start3A_16 : memref<!tpu.dma_semaphore, #tpu.memory_space<semaphore_mem>>)
    %add3A_23 = arith.constant 1 : i32
    %add3A_24 = arith.addi %mul3A_2, %add3A_23 : i32
    %rem3A_25 = arith.constant 1 : i32
    %rem3A_26 = arith.constant 6 : i32
    %rem3A_27 = arith.remsi %rem3A_25, %rem3A_26 : i32
    %rem3A_28 = arith.constant 1 : i32
    %rem3A_29 = arith.constant 6 : i32
    %rem3A_30 = arith.remsi %rem3A_28, %rem3A_29 : i32
    %dma_start3A_31 = arith.constant 0 : i32
    %dma_start3A_32 = tpu.memref_slice %arg7[%rem3A_27, %dma_start3A_31] : memref<6x128xi32, #tpu.memory_space<vmem>> -> memref<1x128xi32, #tpu.memory_space<vmem>>
    %dma_start3A_33 = tpu.memref_squeeze %dma_start3A_32 : memref<1x128xi32, #tpu.memory_space<vmem>> -> memref<128xi32, #tpu.memory_space<vmem>>
    %dma_start3A_34 = arith.constant 0 : i32
    %dma_start3A_35 = tpu.memref_slice %arg2[%add3A_24, %dma_start3A_34] : memref<6400x512xi32, #tpu.memory_space<hbm>> -> memref<1x128xi32, #tpu.memory_space<hbm>>
    %dma_start3A_36 = tpu.memref_squeeze %dma_start3A_35 : memref<1x128xi32, #tpu.memory_space<hbm>> -> memref<128xi32, #tpu.memory_space<hbm>>
    %dma_start3A_37 = tpu.memref_slice %arg10[%rem3A_30] : memref<6x!tpu.dma_semaphore, #tpu.memory_space<semaphore_mem>> -> memref<1x!tpu.dma_semaphore, #tpu.memory_space<semaphore_mem>>
    %dma_start3A_38 = tpu.memref_squeeze %dma_start3A_37 : memref<1x!tpu.dma_semaphore, #tpu.memory_space<semaphore_mem>> -> memref<!tpu.dma_semaphore, #tpu.memory_space<semaphore_mem>>
    %dma_start3A_39 = arith.constant 0 : i32
    %dma_start3A_40 = tpu.memref_slice %arg7[%rem3A_27, %dma_start3A_39] : memref<6x128xi32, #tpu.memory_space<vmem>> -> memref<1x128xi32, #tpu.memory_space<vmem>>
    %dma_start3A_41 = tpu.memref_squeeze %dma_start3A_40 : memref<1x128xi32, #tpu.memory_space<vmem>> -> memref<128xi32, #tpu.memory_space<vmem>>
    %dma_start3A_42 = arith.constant 0 : i32
    %dma_start3A_43 = tpu.memref_slice %arg2[%add3A_24, %dma_start3A_42] : memref<6400x512xi32, #tpu.memory_space<hbm>> -> memref<1x128xi32, #tpu.memory_space<hbm>>
    %dma_start3A_44 = tpu.memref_squeeze %dma_start3A_43 : memref<1x128xi32, #tpu.memory_space<hbm>> -> memref<128xi32, #tpu.memory_space<hbm>>
    tpu.enqueue_dma source(%dma_start3A_44 : memref<128xi32, #tpu.memory_space<hbm>>) target(%dma_start3A_41 : memref<128xi32, #tpu.memory_space<vmem>>) target_semaphore(%dma_start3A_38 : memref<!tpu.dma_semaphore, #tpu.memory_space<semaphore_mem>>)
    %add3A_45 = arith.constant 2 : i32
    %add3A_46 = arith.addi %mul3A_2, %add3A_45 : i32
    %rem3A_47 = arith.constant 2 : i32
    %rem3A_48 = arith.constant 6 : i32
    %rem3A_49 = arith.remsi %rem3A_47, %rem3A_48 : i32
    %rem3A_50 = arith.constant 2 : i32
    %rem3A_51 = arith.constant 6 : i32
    %rem3A_52 = arith.remsi %rem3A_50, %rem3A_51 : i32
    %dma_start3A_53 = arith.constant 0 : i32
    %dma_start3A_54 = tpu.memref_slice %arg7[%rem3A_49, %dma_start3A_53] : memref<6x128xi32, #tpu.memory_space<vmem>> -> memref<1x128xi32, #tpu.memory_space<vmem>>
    %dma_start3A_55 = tpu.memref_squeeze %dma_start3A_54 : memref<1x128xi32, #tpu.memory_space<vmem>> -> memref<128xi32, #tpu.memory_space<vmem>>
    %dma_start3A_56 = arith.constant 0 : i32
    %dma_start3A_57 = tpu.memref_slice %arg2[%add3A_46, %dma_start3A_56] : memref<6400x512xi32, #tpu.memory_space<hbm>> -> memref<1x128xi32, #tpu.memory_space<hbm>>
    %dma_start3A_58 = tpu.memref_squeeze %dma_start3A_57 : memref<1x128xi32, #tpu.memory_space<hbm>> -> memref<128xi32, #tpu.memory_space<hbm>>
    %dma_start3A_59 = tpu.memref_slice %arg10[%rem3A_52] : memref<6x!tpu.dma_semaphore, #tpu.memory_space<semaphore_mem>> -> memref<1x!tpu.dma_semaphore, #tpu.memory_space<semaphore_mem>>
    %dma_start3A_60 = tpu.memref_squeeze %dma_start3A_59 : memref<1x!tpu.dma_semaphore, #tpu.memory_space<semaphore_mem>> -> memref<!tpu.dma_semaphore, #tpu.memory_space<semaphore_mem>>
    %dma_start3A_61 = arith.constant 0 : i32
    %dma_start3A_62 = tpu.memref_slice %arg7[%rem3A_49, %dma_start3A_61] : memref<6x128xi32, #tpu.memory_space<vmem>> -> memref<1x128xi32, #tpu.memory_space<vmem>>
    %dma_start3A_63 = tpu.memref_squeeze %dma_start3A_62 : memref<1x128xi32, #tpu.memory_space<vmem>> -> memref<128xi32, #tpu.memory_space<vmem>>
    %dma_start3A_64 = arith.constant 0 : i32
    %dma_start3A_65 = tpu.memref_slice %arg2[%add3A_46, %dma_start3A_64] : memref<6400x512xi32, #tpu.memory_space<hbm>> -> memref<1x128xi32, #tpu.memory_space<hbm>>
    %dma_start3A_66 = tpu.memref_squeeze %dma_start3A_65 : memref<1x128xi32, #tpu.memory_space<hbm>> -> memref<128xi32, #tpu.memory_space<hbm>>
    tpu.enqueue_dma source(%dma_start3A_66 : memref<128xi32, #tpu.memory_space<hbm>>) target(%dma_start3A_63 : memref<128xi32, #tpu.memory_space<vmem>>) target_semaphore(%dma_start3A_60 : memref<!tpu.dma_semaphore, #tpu.memory_space<semaphore_mem>>)
    %add3A_67 = arith.constant 3 : i32
    %add3A_68 = arith.addi %mul3A_2, %add3A_67 : i32
    %rem3A_69 = arith.constant 3 : i32
    %rem3A_70 = arith.constant 6 : i32
    %rem3A_71 = arith.remsi %rem3A_69, %rem3A_70 : i32
    %rem3A_72 = arith.constant 3 : i32
    %rem3A_73 = arith.constant 6 : i32
    %rem3A_74 = arith.remsi %rem3A_72, %rem3A_73 : i32
    %dma_start3A_75 = arith.constant 0 : i32
    %dma_start3A_76 = tpu.memref_slice %arg7[%rem3A_71, %dma_start3A_75] : memref<6x128xi32, #tpu.memory_space<vmem>> -> memref<1x128xi32, #tpu.memory_space<vmem>>
    %dma_start3A_77 = tpu.memref_squeeze %dma_start3A_76 : memref<1x128xi32, #tpu.memory_space<vmem>> -> memref<128xi32, #tpu.memory_space<vmem>>
    %dma_start3A_78 = arith.constant 0 : i32
    %dma_start3A_79 = tpu.memref_slice %arg2[%add3A_68, %dma_start3A_78] : memref<6400x512xi32, #tpu.memory_space<hbm>> -> memref<1x128xi32, #tpu.memory_space<hbm>>
    %dma_start3A_80 = tpu.memref_squeeze %dma_start3A_79 : memref<1x128xi32, #tpu.memory_space<hbm>> -> memref<128xi32, #tpu.memory_space<hbm>>
    %dma_start3A_81 = tpu.memref_slice %arg10[%rem3A_74] : memref<6x!tpu.dma_semaphore, #tpu.memory_space<semaphore_mem>> -> memref<1x!tpu.dma_semaphore, #tpu.memory_space<semaphore_mem>>
    %dma_start3A_82 = tpu.memref_squeeze %dma_start3A_81 : memref<1x!tpu.dma_semaphore, #tpu.memory_space<semaphore_mem>> -> memref<!tpu.dma_semaphore, #tpu.memory_space<semaphore_mem>>
    %dma_start3A_83 = arith.constant 0 : i32
    %dma_start3A_84 = tpu.memref_slice %arg7[%rem3A_71, %dma_start3A_83] : memref<6x128xi32, #tpu.memory_space<vmem>> -> memref<1x128xi32, #tpu.memory_space<vmem>>
    %dma_start3A_85 = tpu.memref_squeeze %dma_start3A_84 : memref<1x128xi32, #tpu.memory_space<vmem>> -> memref<128xi32, #tpu.memory_space<vmem>>
    %dma_start3A_86 = arith.constant 0 : i32
    %dma_start3A_87 = tpu.memref_slice %arg2[%add3A_68, %dma_start3A_86] : memref<6400x512xi32, #tpu.memory_space<hbm>> -> memref<1x128xi32, #tpu.memory_space<hbm>>
    %dma_start3A_88 = tpu.memref_squeeze %dma_start3A_87 : memref<1x128xi32, #tpu.memory_space<hbm>> -> memref<128xi32, #tpu.memory_space<hbm>>
    tpu.enqueue_dma source(%dma_start3A_88 : memref<128xi32, #tpu.memory_space<hbm>>) target(%dma_start3A_85 : memref<128xi32, #tpu.memory_space<vmem>>) target_semaphore(%dma_start3A_82 : memref<!tpu.dma_semaphore, #tpu.memory_space<semaphore_mem>>)
    %add3A_89 = arith.constant 4 : i32
    %add3A_90 = arith.addi %mul3A_2, %add3A_89 : i32
    %rem3A_91 = arith.constant 4 : i32
    %rem3A_92 = arith.constant 6 : i32
    %rem3A_93 = arith.remsi %rem3A_91, %rem3A_92 : i32
    %rem3A_94 = arith.constant 4 : i32
    %rem3A_95 = arith.constant 6 : i32
    %rem3A_96 = arith.remsi %rem3A_94, %rem3A_95 : i32
    %dma_start3A_97 = arith.constant 0 : i32
    %dma_start3A_98 = tpu.memref_slice %arg7[%rem3A_93, %dma_start3A_97] : memref<6x128xi32, #tpu.memory_space<vmem>> -> memref<1x128xi32, #tpu.memory_space<vmem>>
    %dma_start3A_99 = tpu.memref_squeeze %dma_start3A_98 : memref<1x128xi32, #tpu.memory_space<vmem>> -> memref<128xi32, #tpu.memory_space<vmem>>
    %dma_start3A_100 = arith.constant 0 : i32
    %dma_start3A_101 = tpu.memref_slice %arg2[%add3A_90, %dma_start3A_100] : memref<6400x512xi32, #tpu.memory_space<hbm>> -> memref<1x128xi32, #tpu.memory_space<hbm>>
    %dma_start3A_102 = tpu.memref_squeeze %dma_start3A_101 : memref<1x128xi32, #tpu.memory_space<hbm>> -> memref<128xi32, #tpu.memory_space<hbm>>
    %dma_start3A_103 = tpu.memref_slice %arg10[%rem3A_96] : memref<6x!tpu.dma_semaphore, #tpu.memory_space<semaphore_mem>> -> memref<1x!tpu.dma_semaphore, #tpu.memory_space<semaphore_mem>>
    %dma_start3A_104 = tpu.memref_squeeze %dma_start3A_103 : memref<1x!tpu.dma_semaphore, #tpu.memory_space<semaphore_mem>> -> memref<!tpu.dma_semaphore, #tpu.memory_space<semaphore_mem>>
    %dma_start3A_105 = arith.constant 0 : i32
    %dma_start3A_106 = tpu.memref_slice %arg7[%rem3A_93, %dma_start3A_105] : memref<6x128xi32, #tpu.memory_space<vmem>> -> memref<1x128xi32, #tpu.memory_space<vmem>>
    %dma_start3A_107 = tpu.memref_squeeze %dma_start3A_106 : memref<1x128xi32, #tpu.memory_space<vmem>> -> memref<128xi32, #tpu.memory_space<vmem>>
    %dma_start3A_108 = arith.constant 0 : i32
    %dma_start3A_109 = tpu.memref_slice %arg2[%add3A_90, %dma_start3A_108] : memref<6400x512xi32, #tpu.memory_space<hbm>> -> memref<1x128xi32, #tpu.memory_space<hbm>>
    %dma_start3A_110 = tpu.memref_squeeze %dma_start3A_109 : memref<1x128xi32, #tpu.memory_space<hbm>> -> memref<128xi32, #tpu.memory_space<hbm>>
    tpu.enqueue_dma source(%dma_start3A_110 : memref<128xi32, #tpu.memory_space<hbm>>) target(%dma_start3A_107 : memref<128xi32, #tpu.memory_space<vmem>>) target_semaphore(%dma_start3A_104 : memref<!tpu.dma_semaphore, #tpu.memory_space<semaphore_mem>>)
    %add3A_111 = arith.constant 0 : i32
    %add3A_112 = arith.addi %mul3A_2, %add3A_111 : i32
    %rem3A_113 = arith.constant 0 : i32
    %rem3A_114 = arith.constant 6 : i32
    %rem3A_115 = arith.remsi %rem3A_113, %rem3A_114 : i32
    %rem3A_116 = arith.constant 0 : i32
    %rem3A_117 = arith.constant 6 : i32
    %rem3A_118 = arith.remsi %rem3A_116, %rem3A_117 : i32
    %dma_wait3A = arith.constant 0 : i32
    %dma_wait3A_119 = tpu.memref_slice %arg7[%rem3A_115, %dma_wait3A] : memref<6x128xi32, #tpu.memory_space<vmem>> -> memref<1x128xi32, #tpu.memory_space<vmem>>
    %dma_wait3A_120 = tpu.memref_squeeze %dma_wait3A_119 : memref<1x128xi32, #tpu.memory_space<vmem>> -> memref<128xi32, #tpu.memory_space<vmem>>
    %dma_wait3A_121 = arith.constant 0 : i32
    %dma_wait3A_122 = tpu.memref_slice %arg2[%add3A_112, %dma_wait3A_121] : memref<6400x512xi32, #tpu.memory_space<hbm>> -> memref<1x128xi32, #tpu.memory_space<hbm>>
    %dma_wait3A_123 = tpu.memref_squeeze %dma_wait3A_122 : memref<1x128xi32, #tpu.memory_space<hbm>> -> memref<128xi32, #tpu.memory_space<hbm>>
    %dma_wait3A_124 = tpu.memref_slice %arg10[%rem3A_118] : memref<6x!tpu.dma_semaphore, #tpu.memory_space<semaphore_mem>> -> memref<1x!tpu.dma_semaphore, #tpu.memory_space<semaphore_mem>>
    %dma_wait3A_125 = tpu.memref_squeeze %dma_wait3A_124 : memref<1x!tpu.dma_semaphore, #tpu.memory_space<semaphore_mem>> -> memref<!tpu.dma_semaphore, #tpu.memory_space<semaphore_mem>>
    %dma_wait3A_126 = arith.constant 0 : i32
    %dma_wait3A_127 = tpu.memref_slice %arg7[%rem3A_115, %dma_wait3A_126] : memref<6x128xi32, #tpu.memory_space<vmem>> -> memref<1x128xi32, #tpu.memory_space<vmem>>
    %dma_wait3A_128 = tpu.memref_squeeze %dma_wait3A_127 : memref<1x128xi32, #tpu.memory_space<vmem>> -> memref<128xi32, #tpu.memory_space<vmem>>
    %dma_wait3A_129 = arith.constant 0 : i32
    %dma_wait3A_130 = tpu.memref_slice %arg2[%add3A_112, %dma_wait3A_129] : memref<6400x512xi32, #tpu.memory_space<hbm>> -> memref<1x128xi32, #tpu.memory_space<hbm>>
    %dma_wait3A_131 = tpu.memref_squeeze %dma_wait3A_130 : memref<1x128xi32, #tpu.memory_space<hbm>> -> memref<128xi32, #tpu.memory_space<hbm>>
    tpu.wait_dma2 semaphore(%dma_wait3A_125 : memref<!tpu.dma_semaphore, #tpu.memory_space<semaphore_mem>>) src(%dma_wait3A_131 : memref<128xi32, #tpu.memory_space<hbm>>) dst(%dma_wait3A_128 : memref<128xi32, #tpu.memory_space<vmem>>)
    %rem3A_132 = arith.constant 0 : i32
    %rem3A_133 = arith.constant 6 : i32
    %rem3A_134 = arith.remsi %rem3A_132, %rem3A_133 : i32
    %dma_start3A_135 = arith.constant 0 : i32
    %dma_start3A_136 = arith.constant 0 : i32
    %dma_start3A_137 = arith.constant 0 : i32
    %dma_start3A_138 = arith.constant 0 : i32
    %dma_start3A_139 = tpu.memref_slice %arg8[%dma_start3A_135, %dma_start3A_137, %dma_start3A_138] : memref<3x128x128xf32, #tpu.memory_space<vmem>> -> memref<1x128x128xf32, #tpu.memory_space<vmem>>
    %dma_start3A_140 = tpu.memref_squeeze %dma_start3A_139 : memref<1x128x128xf32, #tpu.memory_space<vmem>> -> memref<128x128xf32, #tpu.memory_space<vmem>>
    %dma_start3A_141 = arith.constant 0 : i32
    %dma_start3A_142 = tpu.memref_slice %arg7[%rem3A_134, %dma_start3A_141] : memref<6x128xi32, #tpu.memory_space<vmem>> -> memref<1x128xi32, #tpu.memory_space<vmem>>
    %dma_start3A_143 = tpu.memref_squeeze %dma_start3A_142 : memref<1x128xi32, #tpu.memory_space<vmem>> -> memref<128xi32, #tpu.memory_space<vmem>>
    %dma_start3A_144 = arith.constant 0 : i32
    %dma_start3A_145 = arith.constant 0 : i32
    %dma_start3A_146 = tpu.memref_slice %arg3[%dma_start3A_144, %dma_start3A_145] : memref<1000000x128xf32, #tpu.memory_space<hbm>> -> memref<1000000x128xf32, #tpu.memory_space<hbm>>
    %dma_start3A_147 = tpu.memref_slice %arg11[%dma_start3A_136] : memref<3x!tpu.dma_semaphore, #tpu.memory_space<semaphore_mem>> -> memref<1x!tpu.dma_semaphore, #tpu.memory_space<semaphore_mem>>
    %dma_start3A_148 = tpu.memref_squeeze %dma_start3A_147 : memref<1x!tpu.dma_semaphore, #tpu.memory_space<semaphore_mem>> -> memref<!tpu.dma_semaphore, #tpu.memory_space<semaphore_mem>>
    tpu.enqueue_indirect_dma source(%dma_start3A_146 : memref<1000000x128xf32, #tpu.memory_space<hbm>>) target(%dma_start3A_140 : memref<128x128xf32, #tpu.memory_space<vmem>>) offsets(%dma_start3A_143 : memref<128xi32, #tpu.memory_space<vmem>>) semaphore(%dma_start3A_148 : memref<!tpu.dma_semaphore, #tpu.memory_space<semaphore_mem>>)
    %add3A_149 = arith.constant 1 : i32
    %add3A_150 = arith.addi %mul3A_2, %add3A_149 : i32
    %rem3A_151 = arith.constant 1 : i32
    %rem3A_152 = arith.constant 6 : i32
    %rem3A_153 = arith.remsi %rem3A_151, %rem3A_152 : i32
    %rem3A_154 = arith.constant 1 : i32
    %rem3A_155 = arith.constant 6 : i32
    %rem3A_156 = arith.remsi %rem3A_154, %rem3A_155 : i32
    %dma_wait3A_157 = arith.constant 0 : i32
    %dma_wait3A_158 = tpu.memref_slice %arg7[%rem3A_153, %dma_wait3A_157] : memref<6x128xi32, #tpu.memory_space<vmem>> -> memref<1x128xi32, #tpu.memory_space<vmem>>
    %dma_wait3A_159 = tpu.memref_squeeze %dma_wait3A_158 : memref<1x128xi32, #tpu.memory_space<vmem>> -> memref<128xi32, #tpu.memory_space<vmem>>
    %dma_wait3A_160 = arith.constant 0 : i32
    %dma_wait3A_161 = tpu.memref_slice %arg2[%add3A_150, %dma_wait3A_160] : memref<6400x512xi32, #tpu.memory_space<hbm>> -> memref<1x128xi32, #tpu.memory_space<hbm>>
    %dma_wait3A_162 = tpu.memref_squeeze %dma_wait3A_161 : memref<1x128xi32, #tpu.memory_space<hbm>> -> memref<128xi32, #tpu.memory_space<hbm>>
    %dma_wait3A_163 = tpu.memref_slice %arg10[%rem3A_156] : memref<6x!tpu.dma_semaphore, #tpu.memory_space<semaphore_mem>> -> memref<1x!tpu.dma_semaphore, #tpu.memory_space<semaphore_mem>>
    %dma_wait3A_164 = tpu.memref_squeeze %dma_wait3A_163 : memref<1x!tpu.dma_semaphore, #tpu.memory_space<semaphore_mem>> -> memref<!tpu.dma_semaphore, #tpu.memory_space<semaphore_mem>>
    %dma_wait3A_165 = arith.constant 0 : i32
    %dma_wait3A_166 = tpu.memref_slice %arg7[%rem3A_153, %dma_wait3A_165] : memref<6x128xi32, #tpu.memory_space<vmem>> -> memref<1x128xi32, #tpu.memory_space<vmem>>
    %dma_wait3A_167 = tpu.memref_squeeze %dma_wait3A_166 : memref<1x128xi32, #tpu.memory_space<vmem>> -> memref<128xi32, #tpu.memory_space<vmem>>
    %dma_wait3A_168 = arith.constant 0 : i32
    %dma_wait3A_169 = tpu.memref_slice %arg2[%add3A_150, %dma_wait3A_168] : memref<6400x512xi32, #tpu.memory_space<hbm>> -> memref<1x128xi32, #tpu.memory_space<hbm>>
    %dma_wait3A_170 = tpu.memref_squeeze %dma_wait3A_169 : memref<1x128xi32, #tpu.memory_space<hbm>> -> memref<128xi32, #tpu.memory_space<hbm>>
    tpu.wait_dma2 semaphore(%dma_wait3A_164 : memref<!tpu.dma_semaphore, #tpu.memory_space<semaphore_mem>>) src(%dma_wait3A_170 : memref<128xi32, #tpu.memory_space<hbm>>) dst(%dma_wait3A_167 : memref<128xi32, #tpu.memory_space<vmem>>)
    %rem3A_171 = arith.constant 1 : i32
    %rem3A_172 = arith.constant 6 : i32
    %rem3A_173 = arith.remsi %rem3A_171, %rem3A_172 : i32
    %dma_start3A_174 = arith.constant 1 : i32
    %dma_start3A_175 = arith.constant 1 : i32
    %dma_start3A_176 = arith.constant 0 : i32
    %dma_start3A_177 = arith.constant 0 : i32
    %dma_start3A_178 = tpu.memref_slice %arg8[%dma_start3A_174, %dma_start3A_176, %dma_start3A_177] : memref<3x128x128xf32, #tpu.memory_space<vmem>> -> memref<1x128x128xf32, #tpu.memory_space<vmem>>
    %dma_start3A_179 = tpu.memref_squeeze %dma_start3A_178 : memref<1x128x128xf32, #tpu.memory_space<vmem>> -> memref<128x128xf32, #tpu.memory_space<vmem>>
    %dma_start3A_180 = arith.constant 0 : i32
    %dma_start3A_181 = tpu.memref_slice %arg7[%rem3A_173, %dma_start3A_180] : memref<6x128xi32, #tpu.memory_space<vmem>> -> memref<1x128xi32, #tpu.memory_space<vmem>>
    %dma_start3A_182 = tpu.memref_squeeze %dma_start3A_181 : memref<1x128xi32, #tpu.memory_space<vmem>> -> memref<128xi32, #tpu.memory_space<vmem>>
    %dma_start3A_183 = arith.constant 0 : i32
    %dma_start3A_184 = arith.constant 0 : i32
    %dma_start3A_185 = tpu.memref_slice %arg3[%dma_start3A_183, %dma_start3A_184] : memref<1000000x128xf32, #tpu.memory_space<hbm>> -> memref<1000000x128xf32, #tpu.memory_space<hbm>>
    %dma_start3A_186 = tpu.memref_slice %arg11[%dma_start3A_175] : memref<3x!tpu.dma_semaphore, #tpu.memory_space<semaphore_mem>> -> memref<1x!tpu.dma_semaphore, #tpu.memory_space<semaphore_mem>>
    %dma_start3A_187 = tpu.memref_squeeze %dma_start3A_186 : memref<1x!tpu.dma_semaphore, #tpu.memory_space<semaphore_mem>> -> memref<!tpu.dma_semaphore, #tpu.memory_space<semaphore_mem>>
    tpu.enqueue_indirect_dma source(%dma_start3A_185 : memref<1000000x128xf32, #tpu.memory_space<hbm>>) target(%dma_start3A_179 : memref<128x128xf32, #tpu.memory_space<vmem>>) offsets(%dma_start3A_182 : memref<128xi32, #tpu.memory_space<vmem>>) semaphore(%dma_start3A_187 : memref<!tpu.dma_semaphore, #tpu.memory_space<semaphore_mem>>)
    %scan3A = arith.constant 0 : i32
    %scan3A_188 = arith.constant 200 : i32
    %scan3A_189 = arith.addi %scan3A, %scan3A_188 : i32
    %scan3A_190 = arith.constant 1 : i32
    scf.for %scan3A_236 = %scan3A to %scan3A_189 step %scan3A_190  : i32 {
      %rem3A_237 = arith.constant 3 : i32
      %rem3A_238 = arith.remsi %scan3A_236, %rem3A_237 : i32
      %rem3A_239 = arith.constant 2 : i32
      %rem3A_240 = arith.remsi %scan3A_236, %rem3A_239 : i32
      %rem3A_241 = arith.constant 6 : i32
      %rem3A_242 = arith.remsi %scan3A_236, %rem3A_241 : i32
      %dma_wait3A_243 = arith.constant 0 : i32
      %dma_wait3A_244 = arith.constant 0 : i32
      %dma_wait3A_245 = tpu.memref_slice %arg8[%rem3A_238, %dma_wait3A_243, %dma_wait3A_244] : memref<3x128x128xf32, #tpu.memory_space<vmem>> -> memref<1x128x128xf32, #tpu.memory_space<vmem>>
      %dma_wait3A_246 = tpu.memref_squeeze %dma_wait3A_245 : memref<1x128x128xf32, #tpu.memory_space<vmem>> -> memref<128x128xf32, #tpu.memory_space<vmem>>
      %dma_wait3A_247 = arith.constant 0 : i32
      %dma_wait3A_248 = tpu.memref_slice %arg7[%rem3A_242, %dma_wait3A_247] : memref<6x128xi32, #tpu.memory_space<vmem>> -> memref<1x128xi32, #tpu.memory_space<vmem>>
      %dma_wait3A_249 = tpu.memref_squeeze %dma_wait3A_248 : memref<1x128xi32, #tpu.memory_space<vmem>> -> memref<128xi32, #tpu.memory_space<vmem>>
      %dma_wait3A_250 = arith.constant 0 : i32
      %dma_wait3A_251 = arith.constant 0 : i32
      %dma_wait3A_252 = tpu.memref_slice %arg3[%dma_wait3A_250, %dma_wait3A_251] : memref<1000000x128xf32, #tpu.memory_space<hbm>> -> memref<1000000x128xf32, #tpu.memory_space<hbm>>
      %dma_wait3A_253 = tpu.memref_slice %arg11[%rem3A_238] : memref<3x!tpu.dma_semaphore, #tpu.memory_space<semaphore_mem>> -> memref<1x!tpu.dma_semaphore, #tpu.memory_space<semaphore_mem>>
      %dma_wait3A_254 = tpu.memref_squeeze %dma_wait3A_253 : memref<1x!tpu.dma_semaphore, #tpu.memory_space<semaphore_mem>> -> memref<!tpu.dma_semaphore, #tpu.memory_space<semaphore_mem>>
      tpu.wait_indirect_dma semaphore(%dma_wait3A_254 : memref<!tpu.dma_semaphore, #tpu.memory_space<semaphore_mem>>) src(%dma_wait3A_252 : memref<1000000x128xf32, #tpu.memory_space<hbm>>) dst(%dma_wait3A_246 : memref<128x128xf32, #tpu.memory_space<vmem>>)
      %ge3A = arith.constant 2 : i32
      %ge3A_255 = arith.cmpi sge, %scan3A_236, %ge3A : i32
      %convert_element_type3A = arith.extui %ge3A_255 : i1 to i32
      %cond3A = arith.constant 0 : i32
      %cond3A_256 = arith.cmpi ne, %convert_element_type3A, %cond3A : i32
      scf.if %cond3A_256 {
        %sub3A_302 = arith.constant 2 : i32
        %sub3A_303 = arith.subi %scan3A_236, %sub3A_302 : i32
        %add3A_304 = arith.addi %mul3A_2, %sub3A_303 : i32
        %mul3A_305 = arith.constant 128 : i32
        %mul3A_306 = arith.muli %add3A_304, %mul3A_305 : i32
        %dma_wait3A_307 = arith.constant 0 : i32
        %dma_wait3A_308 = arith.constant 0 : i32
        %dma_wait3A_309 = tpu.memref_slice %arg9[%rem3A_240, %dma_wait3A_307, %dma_wait3A_308] : memref<2x128x64xf32, #tpu.memory_space<vmem>> -> memref<1x128x64xf32, #tpu.memory_space<vmem>>
        %dma_wait3A_310 = tpu.memref_squeeze %dma_wait3A_309 : memref<1x128x64xf32, #tpu.memory_space<vmem>> -> memref<128x64xf32, #tpu.memory_space<vmem>>
        %dma_wait3A_311 = tpu.memref_reshape %arg5 : memref<4096x200x64xf32, #tpu.memory_space<hbm>> -> memref<819200x64xf32, #tpu.memory_space<hbm>>
        %dma_wait3A_312 = arith.constant 0 : i32
        %dma_wait3A_313 = tpu.memref_slice %dma_wait3A_311[%mul3A_306, %dma_wait3A_312] : memref<819200x64xf32, #tpu.memory_space<hbm>> -> memref<128x64xf32, #tpu.memory_space<hbm>>
        %dma_wait3A_314 = tpu.memref_slice %arg12[%rem3A_240] : memref<2x!tpu.dma_semaphore, #tpu.memory_space<semaphore_mem>> -> memref<1x!tpu.dma_semaphore, #tpu.memory_space<semaphore_mem>>
        %dma_wait3A_315 = tpu.memref_squeeze %dma_wait3A_314 : memref<1x!tpu.dma_semaphore, #tpu.memory_space<semaphore_mem>> -> memref<!tpu.dma_semaphore, #tpu.memory_space<semaphore_mem>>
        %dma_wait3A_316 = tpu.memref_reshape %arg5 : memref<4096x200x64xf32, #tpu.memory_space<hbm>> -> memref<819200x64xf32, #tpu.memory_space<hbm>>
        %dma_wait3A_317 = arith.constant 0 : i32
        %dma_wait3A_318 = tpu.memref_slice %dma_wait3A_316[%mul3A_306, %dma_wait3A_317] : memref<819200x64xf32, #tpu.memory_space<hbm>> -> memref<128x64xf32, #tpu.memory_space<hbm>>
        %dma_wait3A_319 = arith.constant 0 : i32
        %dma_wait3A_320 = arith.constant 0 : i32
        %dma_wait3A_321 = tpu.memref_slice %arg9[%rem3A_240, %dma_wait3A_319, %dma_wait3A_320] : memref<2x128x64xf32, #tpu.memory_space<vmem>> -> memref<1x128x64xf32, #tpu.memory_space<vmem>>
        %dma_wait3A_322 = tpu.memref_squeeze %dma_wait3A_321 : memref<1x128x64xf32, #tpu.memory_space<vmem>> -> memref<128x64xf32, #tpu.memory_space<vmem>>
        tpu.wait_dma2 semaphore(%dma_wait3A_315 : memref<!tpu.dma_semaphore, #tpu.memory_space<semaphore_mem>>) src(%dma_wait3A_322 : memref<128x64xf32, #tpu.memory_space<vmem>>) dst(%dma_wait3A_318 : memref<128x64xf32, #tpu.memory_space<hbm>>)
      } else {
      }
      %add3A_257 = arith.addi %mul3A_2, %scan3A_236 : i32
      %mul3A_258 = arith.constant 128 : i32
      %mul3A_259 = arith.muli %add3A_257, %mul3A_258 : i32
      %rem3A_260 = arith.constant 200 : i32
      %rem3A_261 = arith.remsi %mul3A_259, %rem3A_260 : i32
      %scan3A_262 = arith.constant 0 : i32
      %scan3A_263 = arith.constant 16 : i32
      %scan3A_264 = arith.addi %scan3A_262, %scan3A_263 : i32
      %scan3A_265 = arith.constant 1 : i32
      scf.for %scan3A_302 = %scan3A_262 to %scan3A_264 step %scan3A_265  : i32 {
        %mul3A_303 = arith.constant 8 : i32
        %mul3A_304 = arith.muli %scan3A_302, %mul3A_303 : i32
        %add3A_305 = arith.constant 0 : i32
        %add3A_306 = arith.addi %mul3A_304, %add3A_305 : i32
        %get3A = arith.index_cast %rem3A_238 : i32 to index
        %get3A_307 = arith.index_cast %add3A_306 : i32 to index
        %get3A_308 = arith.constant 0 : index
        %get3A_309 = tpu.vector_load %arg8[%get3A, %get3A_307, %get3A_308] {strides = array<i32>} : memref<3x128x128xf32, #tpu.memory_space<vmem>>, vector<1x1x16xf32>,
        %get3A_310 = vector.shape_cast %get3A_309 : vector<1x1x16xf32> to vector<16xf32>
        %mul3A_311 = arith.constant 8.000000e+00 : f32
        %mul3A_312 = vector.broadcast %mul3A_311 : f32 to vector<16xf32>
        %mul3A_313 = arith.mulf %get3A_310, %mul3A_312 : vector<16xf32>
        %add3A_314 = arith.addi %rem3A_261, %add3A_306 : i32
        %get3A_315 = arith.index_cast %add3A_314 : i32 to index
        %get3A_316 = arith.constant 0 : index
        %get3A_317 = tpu.vector_load %arg6[%get3A_315, %get3A_316] {strides = array<i32>} : memref<328x64xf32, #tpu.memory_space<vmem>>, vector<1x16xf32>,
        %get3A_318 = vector.shape_cast %get3A_317 : vector<1x16xf32> to vector<16xf32>
        %add3A_319 = arith.addf %mul3A_313, %get3A_318 : vector<16xf32>
        %swap3A = arith.index_cast %rem3A_240 : i32 to index
        %swap3A_320 = arith.index_cast %add3A_306 : i32 to index
        %swap3A_321 = arith.constant 0 : index
        %swap3A_322 = tpu.vector_load %arg9[%swap3A, %swap3A_320, %swap3A_321] {strides = array<i32>} : memref<2x128x64xf32, #tpu.memory_space<vmem>>, vector<1x1x16xf32>,
        %swap3A_323 = vector.shape_cast %swap3A_322 : vector<1x1x16xf32> to vector<16xf32>
        %swap3A_324 = vector.shape_cast %add3A_319 : vector<16xf32> to vector<1x1x16xf32>
        tpu.vector_store %arg9[%swap3A, %swap3A_320, %swap3A_321], %swap3A_324 {strides = array<i32>} : memref<2x128x64xf32, #tpu.memory_space<vmem>>, vector<1x1x16xf32>,
        %get3A_325 = arith.index_cast %rem3A_238 : i32 to index
        %get3A_326 = arith.index_cast %add3A_306 : i32 to index
        %get3A_327 = arith.constant 16 : index
        %get3A_328 = tpu.vector_load %arg8[%get3A_325, %get3A_326, %get3A_327] {strides = array<i32>} : memref<3x128x128xf32, #tpu.memory_space<vmem>>, vector<1x1x16xf32>,
        %get3A_329 = vector.shape_cast %get3A_328 : vector<1x1x16xf32> to vector<16xf32>
        %mul3A_330 = arith.constant 8.000000e+00 : f32
        %mul3A_331 = vector.broadcast %mul3A_330 : f32 to vector<16xf32>
        %mul3A_332 = arith.mulf %get3A_329, %mul3A_331 : vector<16xf32>
        %add3A_333 = arith.addi %rem3A_261, %add3A_306 : i32
        %get3A_334 = arith.index_cast %add3A_333 : i32 to index
        %get3A_335 = arith.constant 16 : index
        %get3A_336 = tpu.vector_load %arg6[%get3A_334, %get3A_335] {strides = array<i32>} : memref<328x64xf32, #tpu.memory_space<vmem>>, vector<1x16xf32>,
        %get3A_337 = vector.shape_cast %get3A_336 : vector<1x16xf32> to vector<16xf32>
        %add3A_338 = arith.addf %mul3A_332, %get3A_337 : vector<16xf32>
        %swap3A_339 = arith.index_cast %rem3A_240 : i32 to index
        %swap3A_340 = arith.index_cast %add3A_306 : i32 to index
        %swap3A_341 = arith.constant 16 : index
        %swap3A_342 = tpu.vector_load %arg9[%swap3A_339, %swap3A_340, %swap3A_341] {strides = array<i32>} : memref<2x128x64xf32, #tpu.memory_space<vmem>>, vector<1x1x16xf32>,
        %swap3A_343 = vector.shape_cast %swap3A_342 : vector<1x1x16xf32> to vector<16xf32>
        %swap3A_344 = vector.shape_cast %add3A_338 : vector<16xf32> to vector<1x1x16xf32>
        tpu.vector_store %arg9[%swap3A_339, %swap3A_340, %swap3A_341], %swap3A_344 {strides = array<i32>} : memref<2x128x64xf32, #tpu.memory_space<vmem>>, vector<1x1x16xf32>,
        %get3A_345 = arith.index_cast %rem3A_238 : i32 to index
        %get3A_346 = arith.index_cast %add3A_306 : i32 to index
        %get3A_347 = arith.constant 32 : index
        %get3A_348 = tpu.vector_load %arg8[%get3A_345, %get3A_346, %get3A_347] {strides = array<i32>} : memref<3x128x128xf32, #tpu.memory_space<vmem>>, vector<1x1x16xf32>,
        %get3A_349 = vector.shape_cast %get3A_348 : vector<1x1x16xf32> to vector<16xf32>
        %mul3A_350 = arith.constant 8.000000e+00 : f32
        %mul3A_351 = vector.broadcast %mul3A_350 : f32 to vector<16xf32>
        %mul3A_352 = arith.mulf %get3A_349, %mul3A_351 : vector<16xf32>
        %add3A_353 = arith.addi %rem3A_261, %add3A_306 : i32
        %get3A_354 = arith.index_cast %add3A_353 : i32 to index
        %get3A_355 = arith.constant 32 : index
        %get3A_356 = tpu.vector_load %arg6[%get3A_354, %get3A_355] {strides = array<i32>} : memref<328x64xf32, #tpu.memory_space<vmem>>, vector<1x16xf32>,
        %get3A_357 = vector.shape_cast %get3A_356 : vector<1x16xf32> to vector<16xf32>
        %add3A_358 = arith.addf %mul3A_352, %get3A_357 : vector<16xf32>
        %swap3A_359 = arith.index_cast %rem3A_240 : i32 to index
        %swap3A_360 = arith.index_cast %add3A_306 : i32 to index
        %swap3A_361 = arith.constant 32 : index
        %swap3A_362 = tpu.vector_load %arg9[%swap3A_359, %swap3A_360, %swap3A_361] {strides = array<i32>} : memref<2x128x64xf32, #tpu.memory_space<vmem>>, vector<1x1x16xf32>,
        %swap3A_363 = vector.shape_cast %swap3A_362 : vector<1x1x16xf32> to vector<16xf32>
        %swap3A_364 = vector.shape_cast %add3A_358 : vector<16xf32> to vector<1x1x16xf32>
        tpu.vector_store %arg9[%swap3A_359, %swap3A_360, %swap3A_361], %swap3A_364 {strides = array<i32>} : memref<2x128x64xf32, #tpu.memory_space<vmem>>, vector<1x1x16xf32>,
        %get3A_365 = arith.index_cast %rem3A_238 : i32 to index
        %get3A_366 = arith.index_cast %add3A_306 : i32 to index
        %get3A_367 = arith.constant 48 : index
        %get3A_368 = tpu.vector_load %arg8[%get3A_365, %get3A_366, %get3A_367] {strides = array<i32>} : memref<3x128x128xf32, #tpu.memory_space<vmem>>, vector<1x1x16xf32>,
        %get3A_369 = vector.shape_cast %get3A_368 : vector<1x1x16xf32> to vector<16xf32>
        %mul3A_370 = arith.constant 8.000000e+00 : f32
        %mul3A_371 = vector.broadcast %mul3A_370 : f32 to vector<16xf32>
        %mul3A_372 = arith.mulf %get3A_369, %mul3A_371 : vector<16xf32>
        %add3A_373 = arith.addi %rem3A_261, %add3A_306 : i32
        %get3A_374 = arith.index_cast %add3A_373 : i32 to index
        %get3A_375 = arith.constant 48 : index
        %get3A_376 = tpu.vector_load %arg6[%get3A_374, %get3A_375] {strides = array<i32>} : memref<328x64xf32, #tpu.memory_space<vmem>>, vector<1x16xf32>,
        %get3A_377 = vector.shape_cast %get3A_376 : vector<1x16xf32> to vector<16xf32>
        %add3A_378 = arith.addf %mul3A_372, %get3A_377 : vector<16xf32>
        %swap3A_379 = arith.index_cast %rem3A_240 : i32 to index
        %swap3A_380 = arith.index_cast %add3A_306 : i32 to index
        %swap3A_381 = arith.constant 48 : index
        %swap3A_382 = tpu.vector_load %arg9[%swap3A_379, %swap3A_380, %swap3A_381] {strides = array<i32>} : memref<2x128x64xf32, #tpu.memory_space<vmem>>, vector<1x1x16xf32>,
        %swap3A_383 = vector.shape_cast %swap3A_382 : vector<1x1x16xf32> to vector<16xf32>
        %swap3A_384 = vector.shape_cast %add3A_378 : vector<16xf32> to vector<1x1x16xf32>
        tpu.vector_store %arg9[%swap3A_379, %swap3A_380, %swap3A_381], %swap3A_384 {strides = array<i32>} : memref<2x128x64xf32, #tpu.memory_space<vmem>>, vector<1x1x16xf32>,
        %add3A_385 = arith.constant 1 : i32
        %add3A_386 = arith.addi %mul3A_304, %add3A_385 : i32
        %get3A_387 = arith.index_cast %rem3A_238 : i32 to index
        %get3A_388 = arith.index_cast %add3A_386 : i32 to index
        %get3A_389 = arith.constant 0 : index
        %get3A_390 = tpu.vector_load %arg8[%get3A_387, %get3A_388, %get3A_389] {strides = array<i32>} : memref<3x128x128xf32, #tpu.memory_space<vmem>>, vector<1x1x16xf32>,
        %get3A_391 = vector.shape_cast %get3A_390 : vector<1x1x16xf32> to vector<16xf32>
        %mul3A_392 = arith.constant 8.000000e+00 : f32
        %mul3A_393 = vector.broadcast %mul3A_392 : f32 to vector<16xf32>
        %mul3A_394 = arith.mulf %get3A_391, %mul3A_393 : vector<16xf32>
        %add3A_395 = arith.addi %rem3A_261, %add3A_386 : i32
        %get3A_396 = arith.index_cast %add3A_395 : i32 to index
        %get3A_397 = arith.constant 0 : index
        %get3A_398 = tpu.vector_load %arg6[%get3A_396, %get3A_397] {strides = array<i32>} : memref<328x64xf32, #tpu.memory_space<vmem>>, vector<1x16xf32>,
        %get3A_399 = vector.shape_cast %get3A_398 : vector<1x16xf32> to vector<16xf32>
        %add3A_400 = arith.addf %mul3A_394, %get3A_399 : vector<16xf32>
        %swap3A_401 = arith.index_cast %rem3A_240 : i32 to index
        %swap3A_402 = arith.index_cast %add3A_386 : i32 to index
        %swap3A_403 = arith.constant 0 : index
        %swap3A_404 = tpu.vector_load %arg9[%swap3A_401, %swap3A_402, %swap3A_403] {strides = array<i32>} : memref<2x128x64xf32, #tpu.memory_space<vmem>>, vector<1x1x16xf32>,
        %swap3A_405 = vector.shape_cast %swap3A_404 : vector<1x1x16xf32> to vector<16xf32>
        %swap3A_406 = vector.shape_cast %add3A_400 : vector<16xf32> to vector<1x1x16xf32>
        tpu.vector_store %arg9[%swap3A_401, %swap3A_402, %swap3A_403], %swap3A_406 {strides = array<i32>} : memref<2x128x64xf32, #tpu.memory_space<vmem>>, vector<1x1x16xf32>,
        %get3A_407 = arith.index_cast %rem3A_238 : i32 to index
        %get3A_408 = arith.index_cast %add3A_386 : i32 to index
        %get3A_409 = arith.constant 16 : index
        %get3A_410 = tpu.vector_load %arg8[%get3A_407, %get3A_408, %get3A_409] {strides = array<i32>} : memref<3x128x128xf32, #tpu.memory_space<vmem>>, vector<1x1x16xf32>,
        %get3A_411 = vector.shape_cast %get3A_410 : vector<1x1x16xf32> to vector<16xf32>
        %mul3A_412 = arith.constant 8.000000e+00 : f32
        %mul3A_413 = vector.broadcast %mul3A_412 : f32 to vector<16xf32>
        %mul3A_414 = arith.mulf %get3A_411, %mul3A_413 : vector<16xf32>
        %add3A_415 = arith.addi %rem3A_261, %add3A_386 : i32
        %get3A_416 = arith.index_cast %add3A_415 : i32 to index
        %get3A_417 = arith.constant 16 : index
        %get3A_418 = tpu.vector_load %arg6[%get3A_416, %get3A_417] {strides = array<i32>} : memref<328x64xf32, #tpu.memory_space<vmem>>, vector<1x16xf32>,
        %get3A_419 = vector.shape_cast %get3A_418 : vector<1x16xf32> to vector<16xf32>
        %add3A_420 = arith.addf %mul3A_414, %get3A_419 : vector<16xf32>
        %swap3A_421 = arith.index_cast %rem3A_240 : i32 to index
        %swap3A_422 = arith.index_cast %add3A_386 : i32 to index
        %swap3A_423 = arith.constant 16 : index
        %swap3A_424 = tpu.vector_load %arg9[%swap3A_421, %swap3A_422, %swap3A_423] {strides = array<i32>} : memref<2x128x64xf32, #tpu.memory_space<vmem>>, vector<1x1x16xf32>,
        %swap3A_425 = vector.shape_cast %swap3A_424 : vector<1x1x16xf32> to vector<16xf32>
        %swap3A_426 = vector.shape_cast %add3A_420 : vector<16xf32> to vector<1x1x16xf32>
        tpu.vector_store %arg9[%swap3A_421, %swap3A_422, %swap3A_423], %swap3A_426 {strides = array<i32>} : memref<2x128x64xf32, #tpu.memory_space<vmem>>, vector<1x1x16xf32>,
        %get3A_427 = arith.index_cast %rem3A_238 : i32 to index
        %get3A_428 = arith.index_cast %add3A_386 : i32 to index
        %get3A_429 = arith.constant 32 : index
        %get3A_430 = tpu.vector_load %arg8[%get3A_427, %get3A_428, %get3A_429] {strides = array<i32>} : memref<3x128x128xf32, #tpu.memory_space<vmem>>, vector<1x1x16xf32>,
        %get3A_431 = vector.shape_cast %get3A_430 : vector<1x1x16xf32> to vector<16xf32>
        %mul3A_432 = arith.constant 8.000000e+00 : f32
        %mul3A_433 = vector.broadcast %mul3A_432 : f32 to vector<16xf32>
        %mul3A_434 = arith.mulf %get3A_431, %mul3A_433 : vector<16xf32>
        %add3A_435 = arith.addi %rem3A_261, %add3A_386 : i32
        %get3A_436 = arith.index_cast %add3A_435 : i32 to index
        %get3A_437 = arith.constant 32 : index
        %get3A_438 = tpu.vector_load %arg6[%get3A_436, %get3A_437] {strides = array<i32>} : memref<328x64xf32, #tpu.memory_space<vmem>>, vector<1x16xf32>,
        %get3A_439 = vector.shape_cast %get3A_438 : vector<1x16xf32> to vector<16xf32>
        %add3A_440 = arith.addf %mul3A_434, %get3A_439 : vector<16xf32>
        %swap3A_441 = arith.index_cast %rem3A_240 : i32 to index
        %swap3A_442 = arith.index_cast %add3A_386 : i32 to index
        %swap3A_443 = arith.constant 32 : index
        %swap3A_444 = tpu.vector_load %arg9[%swap3A_441, %swap3A_442, %swap3A_443] {strides = array<i32>} : memref<2x128x64xf32, #tpu.memory_space<vmem>>, vector<1x1x16xf32>,
        %swap3A_445 = vector.shape_cast %swap3A_444 : vector<1x1x16xf32> to vector<16xf32>
        %swap3A_446 = vector.shape_cast %add3A_440 : vector<16xf32> to vector<1x1x16xf32>
        tpu.vector_store %arg9[%swap3A_441, %swap3A_442, %swap3A_443], %swap3A_446 {strides = array<i32>} : memref<2x128x64xf32, #tpu.memory_space<vmem>>, vector<1x1x16xf32>,
        %get3A_447 = arith.index_cast %rem3A_238 : i32 to index
        %get3A_448 = arith.index_cast %add3A_386 : i32 to index
        %get3A_449 = arith.constant 48 : index
        %get3A_450 = tpu.vector_load %arg8[%get3A_447, %get3A_448, %get3A_449] {strides = array<i32>} : memref<3x128x128xf32, #tpu.memory_space<vmem>>, vector<1x1x16xf32>,
        %get3A_451 = vector.shape_cast %get3A_450 : vector<1x1x16xf32> to vector<16xf32>
        %mul3A_452 = arith.constant 8.000000e+00 : f32
        %mul3A_453 = vector.broadcast %mul3A_452 : f32 to vector<16xf32>
        %mul3A_454 = arith.mulf %get3A_451, %mul3A_453 : vector<16xf32>
        %add3A_455 = arith.addi %rem3A_261, %add3A_386 : i32
        %get3A_456 = arith.index_cast %add3A_455 : i32 to index
        %get3A_457 = arith.constant 48 : index
        %get3A_458 = tpu.vector_load %arg6[%get3A_456, %get3A_457] {strides = array<i32>} : memref<328x64xf32, #tpu.memory_space<vmem>>, vector<1x16xf32>,
        %get3A_459 = vector.shape_cast %get3A_458 : vector<1x16xf32> to vector<16xf32>
        %add3A_460 = arith.addf %mul3A_454, %get3A_459 : vector<16xf32>
        %swap3A_461 = arith.index_cast %rem3A_240 : i32 to index
        %swap3A_462 = arith.index_cast %add3A_386 : i32 to index
        %swap3A_463 = arith.constant 48 : index
        %swap3A_464 = tpu.vector_load %arg9[%swap3A_461, %swap3A_462, %swap3A_463] {strides = array<i32>} : memref<2x128x64xf32, #tpu.memory_space<vmem>>, vector<1x1x16xf32>,
        %swap3A_465 = vector.shape_cast %swap3A_464 : vector<1x1x16xf32> to vector<16xf32>
        %swap3A_466 = vector.shape_cast %add3A_460 : vector<16xf32> to vector<1x1x16xf32>
        tpu.vector_store %arg9[%swap3A_461, %swap3A_462, %swap3A_463], %swap3A_466 {strides = array<i32>} : memref<2x128x64xf32, #tpu.memory_space<vmem>>, vector<1x1x16xf32>,
        %add3A_467 = arith.constant 2 : i32
        %add3A_468 = arith.addi %mul3A_304, %add3A_467 : i32
        %get3A_469 = arith.index_cast %rem3A_238 : i32 to index
        %get3A_470 = arith.index_cast %add3A_468 : i32 to index
        %get3A_471 = arith.constant 0 : index
        %get3A_472 = tpu.vector_load %arg8[%get3A_469, %get3A_470, %get3A_471] {strides = array<i32>} : memref<3x128x128xf32, #tpu.memory_space<vmem>>, vector<1x1x16xf32>,
        %get3A_473 = vector.shape_cast %get3A_472 : vector<1x1x16xf32> to vector<16xf32>
        %mul3A_474 = arith.constant 8.000000e+00 : f32
        %mul3A_475 = vector.broadcast %mul3A_474 : f32 to vector<16xf32>
        %mul3A_476 = arith.mulf %get3A_473, %mul3A_475 : vector<16xf32>
        %add3A_477 = arith.addi %rem3A_261, %add3A_468 : i32
        %get3A_478 = arith.index_cast %add3A_477 : i32 to index
        %get3A_479 = arith.constant 0 : index
        %get3A_480 = tpu.vector_load %arg6[%get3A_478, %get3A_479] {strides = array<i32>} : memref<328x64xf32, #tpu.memory_space<vmem>>, vector<1x16xf32>,
        %get3A_481 = vector.shape_cast %get3A_480 : vector<1x16xf32> to vector<16xf32>
        %add3A_482 = arith.addf %mul3A_476, %get3A_481 : vector<16xf32>
        %swap3A_483 = arith.index_cast %rem3A_240 : i32 to index
        %swap3A_484 = arith.index_cast %add3A_468 : i32 to index
        %swap3A_485 = arith.constant 0 : index
        %swap3A_486 = tpu.vector_load %arg9[%swap3A_483, %swap3A_484, %swap3A_485] {strides = array<i32>} : memref<2x128x64xf32, #tpu.memory_space<vmem>>, vector<1x1x16xf32>,
        %swap3A_487 = vector.shape_cast %swap3A_486 : vector<1x1x16xf32> to vector<16xf32>
        %swap3A_488 = vector.shape_cast %add3A_482 : vector<16xf32> to vector<1x1x16xf32>
        tpu.vector_store %arg9[%swap3A_483, %swap3A_484, %swap3A_485], %swap3A_488 {strides = array<i32>} : memref<2x128x64xf32, #tpu.memory_space<vmem>>, vector<1x1x16xf32>,
        %get3A_489 = arith.index_cast %rem3A_238 : i32 to index
        %get3A_490 = arith.index_cast %add3A_468 : i32 to index
        %get3A_491 = arith.constant 16 : index
        %get3A_492 = tpu.vector_load %arg8[%get3A_489, %get3A_490, %get3A_491] {strides = array<i32>} : memref<3x128x128xf32, #tpu.memory_space<vmem>>, vector<1x1x16xf32>,
        %get3A_493 = vector.shape_cast %get3A_492 : vector<1x1x16xf32> to vector<16xf32>
        %mul3A_494 = arith.constant 8.000000e+00 : f32
        %mul3A_495 = vector.broadcast %mul3A_494 : f32 to vector<16xf32>
        %mul3A_496 = arith.mulf %get3A_493, %mul3A_495 : vector<16xf32>
        %add3A_497 = arith.addi %rem3A_261, %add3A_468 : i32
        %get3A_498 = arith.index_cast %add3A_497 : i32 to index
        %get3A_499 = arith.constant 16 : index
        %get3A_500 = tpu.vector_load %arg6[%get3A_498, %get3A_499] {strides = array<i32>} : memref<328x64xf32, #tpu.memory_space<vmem>>, vector<1x16xf32>,
        %get3A_501 = vector.shape_cast %get3A_500 : vector<1x16xf32> to vector<16xf32>
        %add3A_502 = arith.addf %mul3A_496, %get3A_501 : vector<16xf32>
        %swap3A_503 = arith.index_cast %rem3A_240 : i32 to index
        %swap3A_504 = arith.index_cast %add3A_468 : i32 to index
        %swap3A_505 = arith.constant 16 : index
        %swap3A_506 = tpu.vector_load %arg9[%swap3A_503, %swap3A_504, %swap3A_505] {strides = array<i32>} : memref<2x128x64xf32, #tpu.memory_space<vmem>>, vector<1x1x16xf32>,
        %swap3A_507 = vector.shape_cast %swap3A_506 : vector<1x1x16xf32> to vector<16xf32>
        %swap3A_508 = vector.shape_cast %add3A_502 : vector<16xf32> to vector<1x1x16xf32>
        tpu.vector_store %arg9[%swap3A_503, %swap3A_504, %swap3A_505], %swap3A_508 {strides = array<i32>} : memref<2x128x64xf32, #tpu.memory_space<vmem>>, vector<1x1x16xf32>,
        %get3A_509 = arith.index_cast %rem3A_238 : i32 to index
        %get3A_510 = arith.index_cast %add3A_468 : i32 to index
        %get3A_511 = arith.constant 32 : index
        %get3A_512 = tpu.vector_load %arg8[%get3A_509, %get3A_510, %get3A_511] {strides = array<i32>} : memref<3x128x128xf32, #tpu.memory_space<vmem>>, vector<1x1x16xf32>,
        %get3A_513 = vector.shape_cast %get3A_512 : vector<1x1x16xf32> to vector<16xf32>
        %mul3A_514 = arith.constant 8.000000e+00 : f32
        %mul3A_515 = vector.broadcast %mul3A_514 : f32 to vector<16xf32>
        %mul3A_516 = arith.mulf %get3A_513, %mul3A_515 : vector<16xf32>
        %add3A_517 = arith.addi %rem3A_261, %add3A_468 : i32
        %get3A_518 = arith.index_cast %add3A_517 : i32 to index
        %get3A_519 = arith.constant 32 : index
        %get3A_520 = tpu.vector_load %arg6[%get3A_518, %get3A_519] {strides = array<i32>} : memref<328x64xf32, #tpu.memory_space<vmem>>, vector<1x16xf32>,
        %get3A_521 = vector.shape_cast %get3A_520 : vector<1x16xf32> to vector<16xf32>
        %add3A_522 = arith.addf %mul3A_516, %get3A_521 : vector<16xf32>
        %swap3A_523 = arith.index_cast %rem3A_240 : i32 to index
        %swap3A_524 = arith.index_cast %add3A_468 : i32 to index
        %swap3A_525 = arith.constant 32 : index
        %swap3A_526 = tpu.vector_load %arg9[%swap3A_523, %swap3A_524, %swap3A_525] {strides = array<i32>} : memref<2x128x64xf32, #tpu.memory_space<vmem>>, vector<1x1x16xf32>,
        %swap3A_527 = vector.shape_cast %swap3A_526 : vector<1x1x16xf32> to vector<16xf32>
        %swap3A_528 = vector.shape_cast %add3A_522 : vector<16xf32> to vector<1x1x16xf32>
        tpu.vector_store %arg9[%swap3A_523, %swap3A_524, %swap3A_525], %swap3A_528 {strides = array<i32>} : memref<2x128x64xf32, #tpu.memory_space<vmem>>, vector<1x1x16xf32>,
        %get3A_529 = arith.index_cast %rem3A_238 : i32 to index
        %get3A_530 = arith.index_cast %add3A_468 : i32 to index
        %get3A_531 = arith.constant 48 : index
        %get3A_532 = tpu.vector_load %arg8[%get3A_529, %get3A_530, %get3A_531] {strides = array<i32>} : memref<3x128x128xf32, #tpu.memory_space<vmem>>, vector<1x1x16xf32>,
        %get3A_533 = vector.shape_cast %get3A_532 : vector<1x1x16xf32> to vector<16xf32>
        %mul3A_534 = arith.constant 8.000000e+00 : f32
        %mul3A_535 = vector.broadcast %mul3A_534 : f32 to vector<16xf32>
        %mul3A_536 = arith.mulf %get3A_533, %mul3A_535 : vector<16xf32>
        %add3A_537 = arith.addi %rem3A_261, %add3A_468 : i32
        %get3A_538 = arith.index_cast %add3A_537 : i32 to index
        %get3A_539 = arith.constant 48 : index
        %get3A_540 = tpu.vector_load %arg6[%get3A_538, %get3A_539] {strides = array<i32>} : memref<328x64xf32, #tpu.memory_space<vmem>>, vector<1x16xf32>,
        %get3A_541 = vector.shape_cast %get3A_540 : vector<1x16xf32> to vector<16xf32>
        %add3A_542 = arith.addf %mul3A_536, %get3A_541 : vector<16xf32>
        %swap3A_543 = arith.index_cast %rem3A_240 : i32 to index
        %swap3A_544 = arith.index_cast %add3A_468 : i32 to index
        %swap3A_545 = arith.constant 48 : index
        %swap3A_546 = tpu.vector_load %arg9[%swap3A_543, %swap3A_544, %swap3A_545] {strides = array<i32>} : memref<2x128x64xf32, #tpu.memory_space<vmem>>, vector<1x1x16xf32>,
        %swap3A_547 = vector.shape_cast %swap3A_546 : vector<1x1x16xf32> to vector<16xf32>
        %swap3A_548 = vector.shape_cast %add3A_542 : vector<16xf32> to vector<1x1x16xf32>
        tpu.vector_store %arg9[%swap3A_543, %swap3A_544, %swap3A_545], %swap3A_548 {strides = array<i32>} : memref<2x128x64xf32, #tpu.memory_space<vmem>>, vector<1x1x16xf32>,
        %add3A_549 = arith.constant 3 : i32
        %add3A_550 = arith.addi %mul3A_304, %add3A_549 : i32
        %get3A_551 = arith.index_cast %rem3A_238 : i32 to index
        %get3A_552 = arith.index_cast %add3A_550 : i32 to index
        %get3A_553 = arith.constant 0 : index
        %get3A_554 = tpu.vector_load %arg8[%get3A_551, %get3A_552, %get3A_553] {strides = array<i32>} : memref<3x128x128xf32, #tpu.memory_space<vmem>>, vector<1x1x16xf32>,
        %get3A_555 = vector.shape_cast %get3A_554 : vector<1x1x16xf32> to vector<16xf32>
        %mul3A_556 = arith.constant 8.000000e+00 : f32
        %mul3A_557 = vector.broadcast %mul3A_556 : f32 to vector<16xf32>
        %mul3A_558 = arith.mulf %get3A_555, %mul3A_557 : vector<16xf32>
        %add3A_559 = arith.addi %rem3A_261, %add3A_550 : i32
        %get3A_560 = arith.index_cast %add3A_559 : i32 to index
        %get3A_561 = arith.constant 0 : index
        %get3A_562 = tpu.vector_load %arg6[%get3A_560, %get3A_561] {strides = array<i32>} : memref<328x64xf32, #tpu.memory_space<vmem>>, vector<1x16xf32>,
        %get3A_563 = vector.shape_cast %get3A_562 : vector<1x16xf32> to vector<16xf32>
        %add3A_564 = arith.addf %mul3A_558, %get3A_563 : vector<16xf32>
        %swap3A_565 = arith.index_cast %rem3A_240 : i32 to index
        %swap3A_566 = arith.index_cast %add3A_550 : i32 to index
        %swap3A_567 = arith.constant 0 : index
        %swap3A_568 = tpu.vector_load %arg9[%swap3A_565, %swap3A_566, %swap3A_567] {strides = array<i32>} : memref<2x128x64xf32, #tpu.memory_space<vmem>>, vector<1x1x16xf32>,
        %swap3A_569 = vector.shape_cast %swap3A_568 : vector<1x1x16xf32> to vector<16xf32>
        %swap3A_570 = vector.shape_cast %add3A_564 : vector<16xf32> to vector<1x1x16xf32>
        tpu.vector_store %arg9[%swap3A_565, %swap3A_566, %swap3A_567], %swap3A_570 {strides = array<i32>} : memref<2x128x64xf32, #tpu.memory_space<vmem>>, vector<1x1x16xf32>,
        %get3A_571 = arith.index_cast %rem3A_238 : i32 to index
        %get3A_572 = arith.index_cast %add3A_550 : i32 to index
        %get3A_573 = arith.constant 16 : index
        %get3A_574 = tpu.vector_load %arg8[%get3A_571, %get3A_572, %get3A_573] {strides = array<i32>} : memref<3x128x128xf32, #tpu.memory_space<vmem>>, vector<1x1x16xf32>,
        %get3A_575 = vector.shape_cast %get3A_574 : vector<1x1x16xf32> to vector<16xf32>
        %mul3A_576 = arith.constant 8.000000e+00 : f32
        %mul3A_577 = vector.broadcast %mul3A_576 : f32 to vector<16xf32>
        %mul3A_578 = arith.mulf %get3A_575, %mul3A_577 : vector<16xf32>
        %add3A_579 = arith.addi %rem3A_261, %add3A_550 : i32
        %get3A_580 = arith.index_cast %add3A_579 : i32 to index
        %get3A_581 = arith.constant 16 : index
        %get3A_582 = tpu.vector_load %arg6[%get3A_580, %get3A_581] {strides = array<i32>} : memref<328x64xf32, #tpu.memory_space<vmem>>, vector<1x16xf32>,
        %get3A_583 = vector.shape_cast %get3A_582 : vector<1x16xf32> to vector<16xf32>
        %add3A_584 = arith.addf %mul3A_578, %get3A_583 : vector<16xf32>
        %swap3A_585 = arith.index_cast %rem3A_240 : i32 to index
        %swap3A_586 = arith.index_cast %add3A_550 : i32 to index
        %swap3A_587 = arith.constant 16 : index
        %swap3A_588 = tpu.vector_load %arg9[%swap3A_585, %swap3A_586, %swap3A_587] {strides = array<i32>} : memref<2x128x64xf32, #tpu.memory_space<vmem>>, vector<1x1x16xf32>,
        %swap3A_589 = vector.shape_cast %swap3A_588 : vector<1x1x16xf32> to vector<16xf32>
        %swap3A_590 = vector.shape_cast %add3A_584 : vector<16xf32> to vector<1x1x16xf32>
        tpu.vector_store %arg9[%swap3A_585, %swap3A_586, %swap3A_587], %swap3A_590 {strides = array<i32>} : memref<2x128x64xf32, #tpu.memory_space<vmem>>, vector<1x1x16xf32>,
        %get3A_591 = arith.index_cast %rem3A_238 : i32 to index
        %get3A_592 = arith.index_cast %add3A_550 : i32 to index
        %get3A_593 = arith.constant 32 : index
        %get3A_594 = tpu.vector_load %arg8[%get3A_591, %get3A_592, %get3A_593] {strides = array<i32>} : memref<3x128x128xf32, #tpu.memory_space<vmem>>, vector<1x1x16xf32>,
        %get3A_595 = vector.shape_cast %get3A_594 : vector<1x1x16xf32> to vector<16xf32>
        %mul3A_596 = arith.constant 8.000000e+00 : f32
        %mul3A_597 = vector.broadcast %mul3A_596 : f32 to vector<16xf32>
        %mul3A_598 = arith.mulf %get3A_595, %mul3A_597 : vector<16xf32>
        %add3A_599 = arith.addi %rem3A_261, %add3A_550 : i32
        %get3A_600 = arith.index_cast %add3A_599 : i32 to index
        %get3A_601 = arith.constant 32 : index
        %get3A_602 = tpu.vector_load %arg6[%get3A_600, %get3A_601] {strides = array<i32>} : memref<328x64xf32, #tpu.memory_space<vmem>>, vector<1x16xf32>,
        %get3A_603 = vector.shape_cast %get3A_602 : vector<1x16xf32> to vector<16xf32>
        %add3A_604 = arith.addf %mul3A_598, %get3A_603 : vector<16xf32>
        %swap3A_605 = arith.index_cast %rem3A_240 : i32 to index
        %swap3A_606 = arith.index_cast %add3A_550 : i32 to index
        %swap3A_607 = arith.constant 32 : index
        %swap3A_608 = tpu.vector_load %arg9[%swap3A_605, %swap3A_606, %swap3A_607] {strides = array<i32>} : memref<2x128x64xf32, #tpu.memory_space<vmem>>, vector<1x1x16xf32>,
        %swap3A_609 = vector.shape_cast %swap3A_608 : vector<1x1x16xf32> to vector<16xf32>
        %swap3A_610 = vector.shape_cast %add3A_604 : vector<16xf32> to vector<1x1x16xf32>
        tpu.vector_store %arg9[%swap3A_605, %swap3A_606, %swap3A_607], %swap3A_610 {strides = array<i32>} : memref<2x128x64xf32, #tpu.memory_space<vmem>>, vector<1x1x16xf32>,
        %get3A_611 = arith.index_cast %rem3A_238 : i32 to index
        %get3A_612 = arith.index_cast %add3A_550 : i32 to index
        %get3A_613 = arith.constant 48 : index
        %get3A_614 = tpu.vector_load %arg8[%get3A_611, %get3A_612, %get3A_613] {strides = array<i32>} : memref<3x128x128xf32, #tpu.memory_space<vmem>>, vector<1x1x16xf32>,
        %get3A_615 = vector.shape_cast %get3A_614 : vector<1x1x16xf32> to vector<16xf32>
        %mul3A_616 = arith.constant 8.000000e+00 : f32
        %mul3A_617 = vector.broadcast %mul3A_616 : f32 to vector<16xf32>
        %mul3A_618 = arith.mulf %get3A_615, %mul3A_617 : vector<16xf32>
        %add3A_619 = arith.addi %rem3A_261, %add3A_550 : i32
        %get3A_620 = arith.index_cast %add3A_619 : i32 to index
        %get3A_621 = arith.constant 48 : index
        %get3A_622 = tpu.vector_load %arg6[%get3A_620, %get3A_621] {strides = array<i32>} : memref<328x64xf32, #tpu.memory_space<vmem>>, vector<1x16xf32>,
        %get3A_623 = vector.shape_cast %get3A_622 : vector<1x16xf32> to vector<16xf32>
        %add3A_624 = arith.addf %mul3A_618, %get3A_623 : vector<16xf32>
        %swap3A_625 = arith.index_cast %rem3A_240 : i32 to index
        %swap3A_626 = arith.index_cast %add3A_550 : i32 to index
        %swap3A_627 = arith.constant 48 : index
        %swap3A_628 = tpu.vector_load %arg9[%swap3A_625, %swap3A_626, %swap3A_627] {strides = array<i32>} : memref<2x128x64xf32, #tpu.memory_space<vmem>>, vector<1x1x16xf32>,
        %swap3A_629 = vector.shape_cast %swap3A_628 : vector<1x1x16xf32> to vector<16xf32>
        %swap3A_630 = vector.shape_cast %add3A_624 : vector<16xf32> to vector<1x1x16xf32>
        tpu.vector_store %arg9[%swap3A_625, %swap3A_626, %swap3A_627], %swap3A_630 {strides = array<i32>} : memref<2x128x64xf32, #tpu.memory_space<vmem>>, vector<1x1x16xf32>,
        %add3A_631 = arith.constant 4 : i32
        %add3A_632 = arith.addi %mul3A_304, %add3A_631 : i32
        %get3A_633 = arith.index_cast %rem3A_238 : i32 to index
        %get3A_634 = arith.index_cast %add3A_632 : i32 to index
        %get3A_635 = arith.constant 0 : index
        %get3A_636 = tpu.vector_load %arg8[%get3A_633, %get3A_634, %get3A_635] {strides = array<i32>} : memref<3x128x128xf32, #tpu.memory_space<vmem>>, vector<1x1x16xf32>,
        %get3A_637 = vector.shape_cast %get3A_636 : vector<1x1x16xf32> to vector<16xf32>
        %mul3A_638 = arith.constant 8.000000e+00 : f32
        %mul3A_639 = vector.broadcast %mul3A_638 : f32 to vector<16xf32>
        %mul3A_640 = arith.mulf %get3A_637, %mul3A_639 : vector<16xf32>
        %add3A_641 = arith.addi %rem3A_261, %add3A_632 : i32
        %get3A_642 = arith.index_cast %add3A_641 : i32 to index
        %get3A_643 = arith.constant 0 : index
        %get3A_644 = tpu.vector_load %arg6[%get3A_642, %get3A_643] {strides = array<i32>} : memref<328x64xf32, #tpu.memory_space<vmem>>, vector<1x16xf32>,
        %get3A_645 = vector.shape_cast %get3A_644 : vector<1x16xf32> to vector<16xf32>
        %add3A_646 = arith.addf %mul3A_640, %get3A_645 : vector<16xf32>
        %swap3A_647 = arith.index_cast %rem3A_240 : i32 to index
        %swap3A_648 = arith.index_cast %add3A_632 : i32 to index
        %swap3A_649 = arith.constant 0 : index
        %swap3A_650 = tpu.vector_load %arg9[%swap3A_647, %swap3A_648, %swap3A_649] {strides = array<i32>} : memref<2x128x64xf32, #tpu.memory_space<vmem>>, vector<1x1x16xf32>,
        %swap3A_651 = vector.shape_cast %swap3A_650 : vector<1x1x16xf32> to vector<16xf32>
        %swap3A_652 = vector.shape_cast %add3A_646 : vector<16xf32> to vector<1x1x16xf32>
        tpu.vector_store %arg9[%swap3A_647, %swap3A_648, %swap3A_649], %swap3A_652 {strides = array<i32>} : memref<2x128x64xf32, #tpu.memory_space<vmem>>, vector<1x1x16xf32>,
        %get3A_653 = arith.index_cast %rem3A_238 : i32 to index
        %get3A_654 = arith.index_cast %add3A_632 : i32 to index
        %get3A_655 = arith.constant 16 : index
        %get3A_656 = tpu.vector_load %arg8[%get3A_653, %get3A_654, %get3A_655] {strides = array<i32>} : memref<3x128x128xf32, #tpu.memory_space<vmem>>, vector<1x1x16xf32>,
        %get3A_657 = vector.shape_cast %get3A_656 : vector<1x1x16xf32> to vector<16xf32>
        %mul3A_658 = arith.constant 8.000000e+00 : f32
        %mul3A_659 = vector.broadcast %mul3A_658 : f32 to vector<16xf32>
        %mul3A_660 = arith.mulf %get3A_657, %mul3A_659 : vector<16xf32>
        %add3A_661 = arith.addi %rem3A_261, %add3A_632 : i32
        %get3A_662 = arith.index_cast %add3A_661 : i32 to index
        %get3A_663 = arith.constant 16 : index
        %get3A_664 = tpu.vector_load %arg6[%get3A_662, %get3A_663] {strides = array<i32>} : memref<328x64xf32, #tpu.memory_space<vmem>>, vector<1x16xf32>,
        %get3A_665 = vector.shape_cast %get3A_664 : vector<1x16xf32> to vector<16xf32>
        %add3A_666 = arith.addf %mul3A_660, %get3A_665 : vector<16xf32>
        %swap3A_667 = arith.index_cast %rem3A_240 : i32 to index
        %swap3A_668 = arith.index_cast %add3A_632 : i32 to index
        %swap3A_669 = arith.constant 16 : index
        %swap3A_670 = tpu.vector_load %arg9[%swap3A_667, %swap3A_668, %swap3A_669] {strides = array<i32>} : memref<2x128x64xf32, #tpu.memory_space<vmem>>, vector<1x1x16xf32>,
        %swap3A_671 = vector.shape_cast %swap3A_670 : vector<1x1x16xf32> to vector<16xf32>
        %swap3A_672 = vector.shape_cast %add3A_666 : vector<16xf32> to vector<1x1x16xf32>
        tpu.vector_store %arg9[%swap3A_667, %swap3A_668, %swap3A_669], %swap3A_672 {strides = array<i32>} : memref<2x128x64xf32, #tpu.memory_space<vmem>>, vector<1x1x16xf32>,
        %get3A_673 = arith.index_cast %rem3A_238 : i32 to index
        %get3A_674 = arith.index_cast %add3A_632 : i32 to index
        %get3A_675 = arith.constant 32 : index
        %get3A_676 = tpu.vector_load %arg8[%get3A_673, %get3A_674, %get3A_675] {strides = array<i32>} : memref<3x128x128xf32, #tpu.memory_space<vmem>>, vector<1x1x16xf32>,
        %get3A_677 = vector.shape_cast %get3A_676 : vector<1x1x16xf32> to vector<16xf32>
        %mul3A_678 = arith.constant 8.000000e+00 : f32
        %mul3A_679 = vector.broadcast %mul3A_678 : f32 to vector<16xf32>
        %mul3A_680 = arith.mulf %get3A_677, %mul3A_679 : vector<16xf32>
        %add3A_681 = arith.addi %rem3A_261, %add3A_632 : i32
        %get3A_682 = arith.index_cast %add3A_681 : i32 to index
        %get3A_683 = arith.constant 32 : index
        %get3A_684 = tpu.vector_load %arg6[%get3A_682, %get3A_683] {strides = array<i32>} : memref<328x64xf32, #tpu.memory_space<vmem>>, vector<1x16xf32>,
        %get3A_685 = vector.shape_cast %get3A_684 : vector<1x16xf32> to vector<16xf32>
        %add3A_686 = arith.addf %mul3A_680, %get3A_685 : vector<16xf32>
        %swap3A_687 = arith.index_cast %rem3A_240 : i32 to index
        %swap3A_688 = arith.index_cast %add3A_632 : i32 to index
        %swap3A_689 = arith.constant 32 : index
        %swap3A_690 = tpu.vector_load %arg9[%swap3A_687, %swap3A_688, %swap3A_689] {strides = array<i32>} : memref<2x128x64xf32, #tpu.memory_space<vmem>>, vector<1x1x16xf32>,
        %swap3A_691 = vector.shape_cast %swap3A_690 : vector<1x1x16xf32> to vector<16xf32>
        %swap3A_692 = vector.shape_cast %add3A_686 : vector<16xf32> to vector<1x1x16xf32>
        tpu.vector_store %arg9[%swap3A_687, %swap3A_688, %swap3A_689], %swap3A_692 {strides = array<i32>} : memref<2x128x64xf32, #tpu.memory_space<vmem>>, vector<1x1x16xf32>,
        %get3A_693 = arith.index_cast %rem3A_238 : i32 to index
        %get3A_694 = arith.index_cast %add3A_632 : i32 to index
        %get3A_695 = arith.constant 48 : index
        %get3A_696 = tpu.vector_load %arg8[%get3A_693, %get3A_694, %get3A_695] {strides = array<i32>} : memref<3x128x128xf32, #tpu.memory_space<vmem>>, vector<1x1x16xf32>,
        %get3A_697 = vector.shape_cast %get3A_696 : vector<1x1x16xf32> to vector<16xf32>
        %mul3A_698 = arith.constant 8.000000e+00 : f32
        %mul3A_699 = vector.broadcast %mul3A_698 : f32 to vector<16xf32>
        %mul3A_700 = arith.mulf %get3A_697, %mul3A_699 : vector<16xf32>
        %add3A_701 = arith.addi %rem3A_261, %add3A_632 : i32
        %get3A_702 = arith.index_cast %add3A_701 : i32 to index
        %get3A_703 = arith.constant 48 : index
        %get3A_704 = tpu.vector_load %arg6[%get3A_702, %get3A_703] {strides = array<i32>} : memref<328x64xf32, #tpu.memory_space<vmem>>, vector<1x16xf32>,
        %get3A_705 = vector.shape_cast %get3A_704 : vector<1x16xf32> to vector<16xf32>
        %add3A_706 = arith.addf %mul3A_700, %get3A_705 : vector<16xf32>
        %swap3A_707 = arith.index_cast %rem3A_240 : i32 to index
        %swap3A_708 = arith.index_cast %add3A_632 : i32 to index
        %swap3A_709 = arith.constant 48 : index
        %swap3A_710 = tpu.vector_load %arg9[%swap3A_707, %swap3A_708, %swap3A_709] {strides = array<i32>} : memref<2x128x64xf32, #tpu.memory_space<vmem>>, vector<1x1x16xf32>,
        %swap3A_711 = vector.shape_cast %swap3A_710 : vector<1x1x16xf32> to vector<16xf32>
        %swap3A_712 = vector.shape_cast %add3A_706 : vector<16xf32> to vector<1x1x16xf32>
        tpu.vector_store %arg9[%swap3A_707, %swap3A_708, %swap3A_709], %swap3A_712 {strides = array<i32>} : memref<2x128x64xf32, #tpu.memory_space<vmem>>, vector<1x1x16xf32>,
        %add3A_713 = arith.constant 5 : i32
        %add3A_714 = arith.addi %mul3A_304, %add3A_713 : i32
        %get3A_715 = arith.index_cast %rem3A_238 : i32 to index
        %get3A_716 = arith.index_cast %add3A_714 : i32 to index
        %get3A_717 = arith.constant 0 : index
        %get3A_718 = tpu.vector_load %arg8[%get3A_715, %get3A_716, %get3A_717] {strides = array<i32>} : memref<3x128x128xf32, #tpu.memory_space<vmem>>, vector<1x1x16xf32>,
        %get3A_719 = vector.shape_cast %get3A_718 : vector<1x1x16xf32> to vector<16xf32>
        %mul3A_720 = arith.constant 8.000000e+00 : f32
        %mul3A_721 = vector.broadcast %mul3A_720 : f32 to vector<16xf32>
        %mul3A_722 = arith.mulf %get3A_719, %mul3A_721 : vector<16xf32>
        %add3A_723 = arith.addi %rem3A_261, %add3A_714 : i32
        %get3A_724 = arith.index_cast %add3A_723 : i32 to index
        %get3A_725 = arith.constant 0 : index
        %get3A_726 = tpu.vector_load %arg6[%get3A_724, %get3A_725] {strides = array<i32>} : memref<328x64xf32, #tpu.memory_space<vmem>>, vector<1x16xf32>,
        %get3A_727 = vector.shape_cast %get3A_726 : vector<1x16xf32> to vector<16xf32>
        %add3A_728 = arith.addf %mul3A_722, %get3A_727 : vector<16xf32>
        %swap3A_729 = arith.index_cast %rem3A_240 : i32 to index
        %swap3A_730 = arith.index_cast %add3A_714 : i32 to index
        %swap3A_731 = arith.constant 0 : index
        %swap3A_732 = tpu.vector_load %arg9[%swap3A_729, %swap3A_730, %swap3A_731] {strides = array<i32>} : memref<2x128x64xf32, #tpu.memory_space<vmem>>, vector<1x1x16xf32>,
        %swap3A_733 = vector.shape_cast %swap3A_732 : vector<1x1x16xf32> to vector<16xf32>
        %swap3A_734 = vector.shape_cast %add3A_728 : vector<16xf32> to vector<1x1x16xf32>
        tpu.vector_store %arg9[%swap3A_729, %swap3A_730, %swap3A_731], %swap3A_734 {strides = array<i32>} : memref<2x128x64xf32, #tpu.memory_space<vmem>>, vector<1x1x16xf32>,
        %get3A_735 = arith.index_cast %rem3A_238 : i32 to index
        %get3A_736 = arith.index_cast %add3A_714 : i32 to index
        %get3A_737 = arith.constant 16 : index
        %get3A_738 = tpu.vector_load %arg8[%get3A_735, %get3A_736, %get3A_737] {strides = array<i32>} : memref<3x128x128xf32, #tpu.memory_space<vmem>>, vector<1x1x16xf32>,
        %get3A_739 = vector.shape_cast %get3A_738 : vector<1x1x16xf32> to vector<16xf32>
        %mul3A_740 = arith.constant 8.000000e+00 : f32
        %mul3A_741 = vector.broadcast %mul3A_740 : f32 to vector<16xf32>
        %mul3A_742 = arith.mulf %get3A_739, %mul3A_741 : vector<16xf32>
        %add3A_743 = arith.addi %rem3A_261, %add3A_714 : i32
        %get3A_744 = arith.index_cast %add3A_743 : i32 to index
        %get3A_745 = arith.constant 16 : index
        %get3A_746 = tpu.vector_load %arg6[%get3A_744, %get3A_745] {strides = array<i32>} : memref<328x64xf32, #tpu.memory_space<vmem>>, vector<1x16xf32>,
        %get3A_747 = vector.shape_cast %get3A_746 : vector<1x16xf32> to vector<16xf32>
        %add3A_748 = arith.addf %mul3A_742, %get3A_747 : vector<16xf32>
        %swap3A_749 = arith.index_cast %rem3A_240 : i32 to index
        %swap3A_750 = arith.index_cast %add3A_714 : i32 to index
        %swap3A_751 = arith.constant 16 : index
        %swap3A_752 = tpu.vector_load %arg9[%swap3A_749, %swap3A_750, %swap3A_751] {strides = array<i32>} : memref<2x128x64xf32, #tpu.memory_space<vmem>>, vector<1x1x16xf32>,
        %swap3A_753 = vector.shape_cast %swap3A_752 : vector<1x1x16xf32> to vector<16xf32>
        %swap3A_754 = vector.shape_cast %add3A_748 : vector<16xf32> to vector<1x1x16xf32>
        tpu.vector_store %arg9[%swap3A_749, %swap3A_750, %swap3A_751], %swap3A_754 {strides = array<i32>} : memref<2x128x64xf32, #tpu.memory_space<vmem>>, vector<1x1x16xf32>,
        %get3A_755 = arith.index_cast %rem3A_238 : i32 to index
        %get3A_756 = arith.index_cast %add3A_714 : i32 to index
        %get3A_757 = arith.constant 32 : index
        %get3A_758 = tpu.vector_load %arg8[%get3A_755, %get3A_756, %get3A_757] {strides = array<i32>} : memref<3x128x128xf32, #tpu.memory_space<vmem>>, vector<1x1x16xf32>,
        %get3A_759 = vector.shape_cast %get3A_758 : vector<1x1x16xf32> to vector<16xf32>
        %mul3A_760 = arith.constant 8.000000e+00 : f32
        %mul3A_761 = vector.broadcast %mul3A_760 : f32 to vector<16xf32>
        %mul3A_762 = arith.mulf %get3A_759, %mul3A_761 : vector<16xf32>
        %add3A_763 = arith.addi %rem3A_261, %add3A_714 : i32
        %get3A_764 = arith.index_cast %add3A_763 : i32 to index
        %get3A_765 = arith.constant 32 : index
        %get3A_766 = tpu.vector_load %arg6[%get3A_764, %get3A_765] {strides = array<i32>} : memref<328x64xf32, #tpu.memory_space<vmem>>, vector<1x16xf32>,
        %get3A_767 = vector.shape_cast %get3A_766 : vector<1x16xf32> to vector<16xf32>
        %add3A_768 = arith.addf %mul3A_762, %get3A_767 : vector<16xf32>
        %swap3A_769 = arith.index_cast %rem3A_240 : i32 to index
        %swap3A_770 = arith.index_cast %add3A_714 : i32 to index
        %swap3A_771 = arith.constant 32 : index
        %swap3A_772 = tpu.vector_load %arg9[%swap3A_769, %swap3A_770, %swap3A_771] {strides = array<i32>} : memref<2x128x64xf32, #tpu.memory_space<vmem>>, vector<1x1x16xf32>,
        %swap3A_773 = vector.shape_cast %swap3A_772 : vector<1x1x16xf32> to vector<16xf32>
        %swap3A_774 = vector.shape_cast %add3A_768 : vector<16xf32> to vector<1x1x16xf32>
        tpu.vector_store %arg9[%swap3A_769, %swap3A_770, %swap3A_771], %swap3A_774 {strides = array<i32>} : memref<2x128x64xf32, #tpu.memory_space<vmem>>, vector<1x1x16xf32>,
        %get3A_775 = arith.index_cast %rem3A_238 : i32 to index
        %get3A_776 = arith.index_cast %add3A_714 : i32 to index
        %get3A_777 = arith.constant 48 : index
        %get3A_778 = tpu.vector_load %arg8[%get3A_775, %get3A_776, %get3A_777] {strides = array<i32>} : memref<3x128x128xf32, #tpu.memory_space<vmem>>, vector<1x1x16xf32>,
        %get3A_779 = vector.shape_cast %get3A_778 : vector<1x1x16xf32> to vector<16xf32>
        %mul3A_780 = arith.constant 8.000000e+00 : f32
        %mul3A_781 = vector.broadcast %mul3A_780 : f32 to vector<16xf32>
        %mul3A_782 = arith.mulf %get3A_779, %mul3A_781 : vector<16xf32>
        %add3A_783 = arith.addi %rem3A_261, %add3A_714 : i32
        %get3A_784 = arith.index_cast %add3A_783 : i32 to index
        %get3A_785 = arith.constant 48 : index
        %get3A_786 = tpu.vector_load %arg6[%get3A_784, %get3A_785] {strides = array<i32>} : memref<328x64xf32, #tpu.memory_space<vmem>>, vector<1x16xf32>,
        %get3A_787 = vector.shape_cast %get3A_786 : vector<1x16xf32> to vector<16xf32>
        %add3A_788 = arith.addf %mul3A_782, %get3A_787 : vector<16xf32>
        %swap3A_789 = arith.index_cast %rem3A_240 : i32 to index
        %swap3A_790 = arith.index_cast %add3A_714 : i32 to index
        %swap3A_791 = arith.constant 48 : index
        %swap3A_792 = tpu.vector_load %arg9[%swap3A_789, %swap3A_790, %swap3A_791] {strides = array<i32>} : memref<2x128x64xf32, #tpu.memory_space<vmem>>, vector<1x1x16xf32>,
        %swap3A_793 = vector.shape_cast %swap3A_792 : vector<1x1x16xf32> to vector<16xf32>
        %swap3A_794 = vector.shape_cast %add3A_788 : vector<16xf32> to vector<1x1x16xf32>
        tpu.vector_store %arg9[%swap3A_789, %swap3A_790, %swap3A_791], %swap3A_794 {strides = array<i32>} : memref<2x128x64xf32, #tpu.memory_space<vmem>>, vector<1x1x16xf32>,
        %add3A_795 = arith.constant 6 : i32
        %add3A_796 = arith.addi %mul3A_304, %add3A_795 : i32
        %get3A_797 = arith.index_cast %rem3A_238 : i32 to index
        %get3A_798 = arith.index_cast %add3A_796 : i32 to index
        %get3A_799 = arith.constant 0 : index
        %get3A_800 = tpu.vector_load %arg8[%get3A_797, %get3A_798, %get3A_799] {strides = array<i32>} : memref<3x128x128xf32, #tpu.memory_space<vmem>>, vector<1x1x16xf32>,
        %get3A_801 = vector.shape_cast %get3A_800 : vector<1x1x16xf32> to vector<16xf32>
        %mul3A_802 = arith.constant 8.000000e+00 : f32
        %mul3A_803 = vector.broadcast %mul3A_802 : f32 to vector<16xf32>
        %mul3A_804 = arith.mulf %get3A_801, %mul3A_803 : vector<16xf32>
        %add3A_805 = arith.addi %rem3A_261, %add3A_796 : i32
        %get3A_806 = arith.index_cast %add3A_805 : i32 to index
        %get3A_807 = arith.constant 0 : index
        %get3A_808 = tpu.vector_load %arg6[%get3A_806, %get3A_807] {strides = array<i32>} : memref<328x64xf32, #tpu.memory_space<vmem>>, vector<1x16xf32>,
        %get3A_809 = vector.shape_cast %get3A_808 : vector<1x16xf32> to vector<16xf32>
        %add3A_810 = arith.addf %mul3A_804, %get3A_809 : vector<16xf32>
        %swap3A_811 = arith.index_cast %rem3A_240 : i32 to index
        %swap3A_812 = arith.index_cast %add3A_796 : i32 to index
        %swap3A_813 = arith.constant 0 : index
        %swap3A_814 = tpu.vector_load %arg9[%swap3A_811, %swap3A_812, %swap3A_813] {strides = array<i32>} : memref<2x128x64xf32, #tpu.memory_space<vmem>>, vector<1x1x16xf32>,
        %swap3A_815 = vector.shape_cast %swap3A_814 : vector<1x1x16xf32> to vector<16xf32>
        %swap3A_816 = vector.shape_cast %add3A_810 : vector<16xf32> to vector<1x1x16xf32>
        tpu.vector_store %arg9[%swap3A_811, %swap3A_812, %swap3A_813], %swap3A_816 {strides = array<i32>} : memref<2x128x64xf32, #tpu.memory_space<vmem>>, vector<1x1x16xf32>,
        %get3A_817 = arith.index_cast %rem3A_238 : i32 to index
        %get3A_818 = arith.index_cast %add3A_796 : i32 to index
        %get3A_819 = arith.constant 16 : index
        %get3A_820 = tpu.vector_load %arg8[%get3A_817, %get3A_818, %get3A_819] {strides = array<i32>} : memref<3x128x128xf32, #tpu.memory_space<vmem>>, vector<1x1x16xf32>,
        %get3A_821 = vector.shape_cast %get3A_820 : vector<1x1x16xf32> to vector<16xf32>
        %mul3A_822 = arith.constant 8.000000e+00 : f32
        %mul3A_823 = vector.broadcast %mul3A_822 : f32 to vector<16xf32>
        %mul3A_824 = arith.mulf %get3A_821, %mul3A_823 : vector<16xf32>
        %add3A_825 = arith.addi %rem3A_261, %add3A_796 : i32
        %get3A_826 = arith.index_cast %add3A_825 : i32 to index
        %get3A_827 = arith.constant 16 : index
        %get3A_828 = tpu.vector_load %arg6[%get3A_826, %get3A_827] {strides = array<i32>} : memref<328x64xf32, #tpu.memory_space<vmem>>, vector<1x16xf32>,
        %get3A_829 = vector.shape_cast %get3A_828 : vector<1x16xf32> to vector<16xf32>
        %add3A_830 = arith.addf %mul3A_824, %get3A_829 : vector<16xf32>
        %swap3A_831 = arith.index_cast %rem3A_240 : i32 to index
        %swap3A_832 = arith.index_cast %add3A_796 : i32 to index
        %swap3A_833 = arith.constant 16 : index
        %swap3A_834 = tpu.vector_load %arg9[%swap3A_831, %swap3A_832, %swap3A_833] {strides = array<i32>} : memref<2x128x64xf32, #tpu.memory_space<vmem>>, vector<1x1x16xf32>,
        %swap3A_835 = vector.shape_cast %swap3A_834 : vector<1x1x16xf32> to vector<16xf32>
        %swap3A_836 = vector.shape_cast %add3A_830 : vector<16xf32> to vector<1x1x16xf32>
        tpu.vector_store %arg9[%swap3A_831, %swap3A_832, %swap3A_833], %swap3A_836 {strides = array<i32>} : memref<2x128x64xf32, #tpu.memory_space<vmem>>, vector<1x1x16xf32>,
        %get3A_837 = arith.index_cast %rem3A_238 : i32 to index
        %get3A_838 = arith.index_cast %add3A_796 : i32 to index
        %get3A_839 = arith.constant 32 : index
        %get3A_840 = tpu.vector_load %arg8[%get3A_837, %get3A_838, %get3A_839] {strides = array<i32>} : memref<3x128x128xf32, #tpu.memory_space<vmem>>, vector<1x1x16xf32>,
        %get3A_841 = vector.shape_cast %get3A_840 : vector<1x1x16xf32> to vector<16xf32>
        %mul3A_842 = arith.constant 8.000000e+00 : f32
        %mul3A_843 = vector.broadcast %mul3A_842 : f32 to vector<16xf32>
        %mul3A_844 = arith.mulf %get3A_841, %mul3A_843 : vector<16xf32>
        %add3A_845 = arith.addi %rem3A_261, %add3A_796 : i32
        %get3A_846 = arith.index_cast %add3A_845 : i32 to index
        %get3A_847 = arith.constant 32 : index
        %get3A_848 = tpu.vector_load %arg6[%get3A_846, %get3A_847] {strides = array<i32>} : memref<328x64xf32, #tpu.memory_space<vmem>>, vector<1x16xf32>,
        %get3A_849 = vector.shape_cast %get3A_848 : vector<1x16xf32> to vector<16xf32>
        %add3A_850 = arith.addf %mul3A_844, %get3A_849 : vector<16xf32>
        %swap3A_851 = arith.index_cast %rem3A_240 : i32 to index
        %swap3A_852 = arith.index_cast %add3A_796 : i32 to index
        %swap3A_853 = arith.constant 32 : index
        %swap3A_854 = tpu.vector_load %arg9[%swap3A_851, %swap3A_852, %swap3A_853] {strides = array<i32>} : memref<2x128x64xf32, #tpu.memory_space<vmem>>, vector<1x1x16xf32>,
        %swap3A_855 = vector.shape_cast %swap3A_854 : vector<1x1x16xf32> to vector<16xf32>
        %swap3A_856 = vector.shape_cast %add3A_850 : vector<16xf32> to vector<1x1x16xf32>
        tpu.vector_store %arg9[%swap3A_851, %swap3A_852, %swap3A_853], %swap3A_856 {strides = array<i32>} : memref<2x128x64xf32, #tpu.memory_space<vmem>>, vector<1x1x16xf32>,
        %get3A_857 = arith.index_cast %rem3A_238 : i32 to index
        %get3A_858 = arith.index_cast %add3A_796 : i32 to index
        %get3A_859 = arith.constant 48 : index
        %get3A_860 = tpu.vector_load %arg8[%get3A_857, %get3A_858, %get3A_859] {strides = array<i32>} : memref<3x128x128xf32, #tpu.memory_space<vmem>>, vector<1x1x16xf32>,
        %get3A_861 = vector.shape_cast %get3A_860 : vector<1x1x16xf32> to vector<16xf32>
        %mul3A_862 = arith.constant 8.000000e+00 : f32
        %mul3A_863 = vector.broadcast %mul3A_862 : f32 to vector<16xf32>
        %mul3A_864 = arith.mulf %get3A_861, %mul3A_863 : vector<16xf32>
        %add3A_865 = arith.addi %rem3A_261, %add3A_796 : i32
        %get3A_866 = arith.index_cast %add3A_865 : i32 to index
        %get3A_867 = arith.constant 48 : index
        %get3A_868 = tpu.vector_load %arg6[%get3A_866, %get3A_867] {strides = array<i32>} : memref<328x64xf32, #tpu.memory_space<vmem>>, vector<1x16xf32>,
        %get3A_869 = vector.shape_cast %get3A_868 : vector<1x16xf32> to vector<16xf32>
        %add3A_870 = arith.addf %mul3A_864, %get3A_869 : vector<16xf32>
        %swap3A_871 = arith.index_cast %rem3A_240 : i32 to index
        %swap3A_872 = arith.index_cast %add3A_796 : i32 to index
        %swap3A_873 = arith.constant 48 : index
        %swap3A_874 = tpu.vector_load %arg9[%swap3A_871, %swap3A_872, %swap3A_873] {strides = array<i32>} : memref<2x128x64xf32, #tpu.memory_space<vmem>>, vector<1x1x16xf32>,
        %swap3A_875 = vector.shape_cast %swap3A_874 : vector<1x1x16xf32> to vector<16xf32>
        %swap3A_876 = vector.shape_cast %add3A_870 : vector<16xf32> to vector<1x1x16xf32>
        tpu.vector_store %arg9[%swap3A_871, %swap3A_872, %swap3A_873], %swap3A_876 {strides = array<i32>} : memref<2x128x64xf32, #tpu.memory_space<vmem>>, vector<1x1x16xf32>,
        %add3A_877 = arith.constant 7 : i32
        %add3A_878 = arith.addi %mul3A_304, %add3A_877 : i32
        %get3A_879 = arith.index_cast %rem3A_238 : i32 to index
        %get3A_880 = arith.index_cast %add3A_878 : i32 to index
        %get3A_881 = arith.constant 0 : index
        %get3A_882 = tpu.vector_load %arg8[%get3A_879, %get3A_880, %get3A_881] {strides = array<i32>} : memref<3x128x128xf32, #tpu.memory_space<vmem>>, vector<1x1x16xf32>,
        %get3A_883 = vector.shape_cast %get3A_882 : vector<1x1x16xf32> to vector<16xf32>
        %mul3A_884 = arith.constant 8.000000e+00 : f32
        %mul3A_885 = vector.broadcast %mul3A_884 : f32 to vector<16xf32>
        %mul3A_886 = arith.mulf %get3A_883, %mul3A_885 : vector<16xf32>
        %add3A_887 = arith.addi %rem3A_261, %add3A_878 : i32
        %get3A_888 = arith.index_cast %add3A_887 : i32 to index
        %get3A_889 = arith.constant 0 : index
        %get3A_890 = tpu.vector_load %arg6[%get3A_888, %get3A_889] {strides = array<i32>} : memref<328x64xf32, #tpu.memory_space<vmem>>, vector<1x16xf32>,
        %get3A_891 = vector.shape_cast %get3A_890 : vector<1x16xf32> to vector<16xf32>
        %add3A_892 = arith.addf %mul3A_886, %get3A_891 : vector<16xf32>
        %swap3A_893 = arith.index_cast %rem3A_240 : i32 to index
        %swap3A_894 = arith.index_cast %add3A_878 : i32 to index
        %swap3A_895 = arith.constant 0 : index
        %swap3A_896 = tpu.vector_load %arg9[%swap3A_893, %swap3A_894, %swap3A_895] {strides = array<i32>} : memref<2x128x64xf32, #tpu.memory_space<vmem>>, vector<1x1x16xf32>,
        %swap3A_897 = vector.shape_cast %swap3A_896 : vector<1x1x16xf32> to vector<16xf32>
        %swap3A_898 = vector.shape_cast %add3A_892 : vector<16xf32> to vector<1x1x16xf32>
        tpu.vector_store %arg9[%swap3A_893, %swap3A_894, %swap3A_895], %swap3A_898 {strides = array<i32>} : memref<2x128x64xf32, #tpu.memory_space<vmem>>, vector<1x1x16xf32>,
        %get3A_899 = arith.index_cast %rem3A_238 : i32 to index
        %get3A_900 = arith.index_cast %add3A_878 : i32 to index
        %get3A_901 = arith.constant 16 : index
        %get3A_902 = tpu.vector_load %arg8[%get3A_899, %get3A_900, %get3A_901] {strides = array<i32>} : memref<3x128x128xf32, #tpu.memory_space<vmem>>, vector<1x1x16xf32>,
        %get3A_903 = vector.shape_cast %get3A_902 : vector<1x1x16xf32> to vector<16xf32>
        %mul3A_904 = arith.constant 8.000000e+00 : f32
        %mul3A_905 = vector.broadcast %mul3A_904 : f32 to vector<16xf32>
        %mul3A_906 = arith.mulf %get3A_903, %mul3A_905 : vector<16xf32>
        %add3A_907 = arith.addi %rem3A_261, %add3A_878 : i32
        %get3A_908 = arith.index_cast %add3A_907 : i32 to index
        %get3A_909 = arith.constant 16 : index
        %get3A_910 = tpu.vector_load %arg6[%get3A_908, %get3A_909] {strides = array<i32>} : memref<328x64xf32, #tpu.memory_space<vmem>>, vector<1x16xf32>,
        %get3A_911 = vector.shape_cast %get3A_910 : vector<1x16xf32> to vector<16xf32>
        %add3A_912 = arith.addf %mul3A_906, %get3A_911 : vector<16xf32>
        %swap3A_913 = arith.index_cast %rem3A_240 : i32 to index
        %swap3A_914 = arith.index_cast %add3A_878 : i32 to index
        %swap3A_915 = arith.constant 16 : index
        %swap3A_916 = tpu.vector_load %arg9[%swap3A_913, %swap3A_914, %swap3A_915] {strides = array<i32>} : memref<2x128x64xf32, #tpu.memory_space<vmem>>, vector<1x1x16xf32>,
        %swap3A_917 = vector.shape_cast %swap3A_916 : vector<1x1x16xf32> to vector<16xf32>
        %swap3A_918 = vector.shape_cast %add3A_912 : vector<16xf32> to vector<1x1x16xf32>
        tpu.vector_store %arg9[%swap3A_913, %swap3A_914, %swap3A_915], %swap3A_918 {strides = array<i32>} : memref<2x128x64xf32, #tpu.memory_space<vmem>>, vector<1x1x16xf32>,
        %get3A_919 = arith.index_cast %rem3A_238 : i32 to index
        %get3A_920 = arith.index_cast %add3A_878 : i32 to index
        %get3A_921 = arith.constant 32 : index
        %get3A_922 = tpu.vector_load %arg8[%get3A_919, %get3A_920, %get3A_921] {strides = array<i32>} : memref<3x128x128xf32, #tpu.memory_space<vmem>>, vector<1x1x16xf32>,
        %get3A_923 = vector.shape_cast %get3A_922 : vector<1x1x16xf32> to vector<16xf32>
        %mul3A_924 = arith.constant 8.000000e+00 : f32
        %mul3A_925 = vector.broadcast %mul3A_924 : f32 to vector<16xf32>
        %mul3A_926 = arith.mulf %get3A_923, %mul3A_925 : vector<16xf32>
        %add3A_927 = arith.addi %rem3A_261, %add3A_878 : i32
        %get3A_928 = arith.index_cast %add3A_927 : i32 to index
        %get3A_929 = arith.constant 32 : index
        %get3A_930 = tpu.vector_load %arg6[%get3A_928, %get3A_929] {strides = array<i32>} : memref<328x64xf32, #tpu.memory_space<vmem>>, vector<1x16xf32>,
        %get3A_931 = vector.shape_cast %get3A_930 : vector<1x16xf32> to vector<16xf32>
        %add3A_932 = arith.addf %mul3A_926, %get3A_931 : vector<16xf32>
        %swap3A_933 = arith.index_cast %rem3A_240 : i32 to index
        %swap3A_934 = arith.index_cast %add3A_878 : i32 to index
        %swap3A_935 = arith.constant 32 : index
        %swap3A_936 = tpu.vector_load %arg9[%swap3A_933, %swap3A_934, %swap3A_935] {strides = array<i32>} : memref<2x128x64xf32, #tpu.memory_space<vmem>>, vector<1x1x16xf32>,
        %swap3A_937 = vector.shape_cast %swap3A_936 : vector<1x1x16xf32> to vector<16xf32>
        %swap3A_938 = vector.shape_cast %add3A_932 : vector<16xf32> to vector<1x1x16xf32>
        tpu.vector_store %arg9[%swap3A_933, %swap3A_934, %swap3A_935], %swap3A_938 {strides = array<i32>} : memref<2x128x64xf32, #tpu.memory_space<vmem>>, vector<1x1x16xf32>,
        %get3A_939 = arith.index_cast %rem3A_238 : i32 to index
        %get3A_940 = arith.index_cast %add3A_878 : i32 to index
        %get3A_941 = arith.constant 48 : index
        %get3A_942 = tpu.vector_load %arg8[%get3A_939, %get3A_940, %get3A_941] {strides = array<i32>} : memref<3x128x128xf32, #tpu.memory_space<vmem>>, vector<1x1x16xf32>,
        %get3A_943 = vector.shape_cast %get3A_942 : vector<1x1x16xf32> to vector<16xf32>
        %mul3A_944 = arith.constant 8.000000e+00 : f32
        %mul3A_945 = vector.broadcast %mul3A_944 : f32 to vector<16xf32>
        %mul3A_946 = arith.mulf %get3A_943, %mul3A_945 : vector<16xf32>
        %add3A_947 = arith.addi %rem3A_261, %add3A_878 : i32
        %get3A_948 = arith.index_cast %add3A_947 : i32 to index
        %get3A_949 = arith.constant 48 : index
        %get3A_950 = tpu.vector_load %arg6[%get3A_948, %get3A_949] {strides = array<i32>} : memref<328x64xf32, #tpu.memory_space<vmem>>, vector<1x16xf32>,
        %get3A_951 = vector.shape_cast %get3A_950 : vector<1x16xf32> to vector<16xf32>
        %add3A_952 = arith.addf %mul3A_946, %get3A_951 : vector<16xf32>
        %swap3A_953 = arith.index_cast %rem3A_240 : i32 to index
        %swap3A_954 = arith.index_cast %add3A_878 : i32 to index
        %swap3A_955 = arith.constant 48 : index
        %swap3A_956 = tpu.vector_load %arg9[%swap3A_953, %swap3A_954, %swap3A_955] {strides = array<i32>} : memref<2x128x64xf32, #tpu.memory_space<vmem>>, vector<1x1x16xf32>,
        %swap3A_957 = vector.shape_cast %swap3A_956 : vector<1x1x16xf32> to vector<16xf32>
        %swap3A_958 = vector.shape_cast %add3A_952 : vector<16xf32> to vector<1x1x16xf32>
        tpu.vector_store %arg9[%swap3A_953, %swap3A_954, %swap3A_955], %swap3A_958 {strides = array<i32>} : memref<2x128x64xf32, #tpu.memory_space<vmem>>, vector<1x1x16xf32>,
      }
      %scan3A_266 = arith.constant 16 : i32
      %add3A_267 = arith.addi %mul3A_2, %scan3A_236 : i32
      %mul3A_268 = arith.constant 128 : i32
      %mul3A_269 = arith.muli %add3A_267, %mul3A_268 : i32
      %dma_start3A_270 = arith.constant 0 : i32
      %dma_start3A_271 = arith.constant 0 : i32
      %dma_start3A_272 = tpu.memref_slice %arg9[%rem3A_240, %dma_start3A_270, %dma_start3A_271] : memref<2x128x64xf32, #tpu.memory_space<vmem>> -> memref<1x128x64xf32, #tpu.memory_space<vmem>>
      %dma_start3A_273 = tpu.memref_squeeze %dma_start3A_272 : memref<1x128x64xf32, #tpu.memory_space<vmem>> -> memref<128x64xf32, #tpu.memory_space<vmem>>
      %dma_start3A_274 = tpu.memref_reshape %arg5 : memref<4096x200x64xf32, #tpu.memory_space<hbm>> -> memref<819200x64xf32, #tpu.memory_space<hbm>>
      %dma_start3A_275 = arith.constant 0 : i32
      %dma_start3A_276 = tpu.memref_slice %dma_start3A_274[%mul3A_269, %dma_start3A_275] : memref<819200x64xf32, #tpu.memory_space<hbm>> -> memref<128x64xf32, #tpu.memory_space<hbm>>
      %dma_start3A_277 = tpu.memref_slice %arg12[%rem3A_240] : memref<2x!tpu.dma_semaphore, #tpu.memory_space<semaphore_mem>> -> memref<1x!tpu.dma_semaphore, #tpu.memory_space<semaphore_mem>>
      %dma_start3A_278 = tpu.memref_squeeze %dma_start3A_277 : memref<1x!tpu.dma_semaphore, #tpu.memory_space<semaphore_mem>> -> memref<!tpu.dma_semaphore, #tpu.memory_space<semaphore_mem>>
      %dma_start3A_279 = tpu.memref_reshape %arg5 : memref<4096x200x64xf32, #tpu.memory_space<hbm>> -> memref<819200x64xf32, #tpu.memory_space<hbm>>
      %dma_start3A_280 = arith.constant 0 : i32
      %dma_start3A_281 = tpu.memref_slice %dma_start3A_279[%mul3A_269, %dma_start3A_280] : memref<819200x64xf32, #tpu.memory_space<hbm>> -> memref<128x64xf32, #tpu.memory_space<hbm>>
      %dma_start3A_282 = arith.constant 0 : i32
      %dma_start3A_283 = arith.constant 0 : i32
      %dma_start3A_284 = tpu.memref_slice %arg9[%rem3A_240, %dma_start3A_282, %dma_start3A_283] : memref<2x128x64xf32, #tpu.memory_space<vmem>> -> memref<1x128x64xf32, #tpu.memory_space<vmem>>
      %dma_start3A_285 = tpu.memref_squeeze %dma_start3A_284 : memref<1x128x64xf32, #tpu.memory_space<vmem>> -> memref<128x64xf32, #tpu.memory_space<vmem>>
      tpu.enqueue_dma source(%dma_start3A_285 : memref<128x64xf32, #tpu.memory_space<vmem>>) target(%dma_start3A_281 : memref<128x64xf32, #tpu.memory_space<hbm>>) target_semaphore(%dma_start3A_278 : memref<!tpu.dma_semaphore, #tpu.memory_space<semaphore_mem>>)
      %add3A_286 = arith.constant 6 : i32
      %add3A_287 = arith.addi %scan3A_236, %add3A_286 : i32
      %sub3A = arith.constant 1 : i32
      %sub3A_288 = arith.subi %add3A_287, %sub3A : i32
      %lt3A = arith.constant 200 : i32
      %lt3A_289 = arith.cmpi slt, %sub3A_288, %lt3A : i32
      %convert_element_type3A_290 = arith.extui %lt3A_289 : i1 to i32
      %cond3A_291 = arith.constant 0 : i32
      %cond3A_292 = arith.cmpi ne, %convert_element_type3A_290, %cond3A_291 : i32
      scf.if %cond3A_292 {
        %add3A_302 = arith.constant 6 : i32
        %add3A_303 = arith.addi %scan3A_236, %add3A_302 : i32
        %sub3A_304 = arith.constant 1 : i32
        %sub3A_305 = arith.subi %add3A_303, %sub3A_304 : i32
        %add3A_306 = arith.addi %mul3A_2, %sub3A_305 : i32
        %rem3A_307 = arith.constant 6 : i32
        %rem3A_308 = arith.remsi %sub3A_305, %rem3A_307 : i32
        %rem3A_309 = arith.constant 6 : i32
        %rem3A_310 = arith.remsi %sub3A_305, %rem3A_309 : i32
        %dma_start3A_311 = arith.constant 0 : i32
        %dma_start3A_312 = tpu.memref_slice %arg7[%rem3A_308, %dma_start3A_311] : memref<6x128xi32, #tpu.memory_space<vmem>> -> memref<1x128xi32, #tpu.memory_space<vmem>>
        %dma_start3A_313 = tpu.memref_squeeze %dma_start3A_312 : memref<1x128xi32, #tpu.memory_space<vmem>> -> memref<128xi32, #tpu.memory_space<vmem>>
        %dma_start3A_314 = arith.constant 0 : i32
        %dma_start3A_315 = tpu.memref_slice %arg2[%add3A_306, %dma_start3A_314] : memref<6400x512xi32, #tpu.memory_space<hbm>> -> memref<1x128xi32, #tpu.memory_space<hbm>>
        %dma_start3A_316 = tpu.memref_squeeze %dma_start3A_315 : memref<1x128xi32, #tpu.memory_space<hbm>> -> memref<128xi32, #tpu.memory_space<hbm>>
        %dma_start3A_317 = tpu.memref_slice %arg10[%rem3A_310] : memref<6x!tpu.dma_semaphore, #tpu.memory_space<semaphore_mem>> -> memref<1x!tpu.dma_semaphore, #tpu.memory_space<semaphore_mem>>
        %dma_start3A_318 = tpu.memref_squeeze %dma_start3A_317 : memref<1x!tpu.dma_semaphore, #tpu.memory_space<semaphore_mem>> -> memref<!tpu.dma_semaphore, #tpu.memory_space<semaphore_mem>>
        %dma_start3A_319 = arith.constant 0 : i32
        %dma_start3A_320 = tpu.memref_slice %arg7[%rem3A_308, %dma_start3A_319] : memref<6x128xi32, #tpu.memory_space<vmem>> -> memref<1x128xi32, #tpu.memory_space<vmem>>
        %dma_start3A_321 = tpu.memref_squeeze %dma_start3A_320 : memref<1x128xi32, #tpu.memory_space<vmem>> -> memref<128xi32, #tpu.memory_space<vmem>>
        %dma_start3A_322 = arith.constant 0 : i32
        %dma_start3A_323 = tpu.memref_slice %arg2[%add3A_306, %dma_start3A_322] : memref<6400x512xi32, #tpu.memory_space<hbm>> -> memref<1x128xi32, #tpu.memory_space<hbm>>
        %dma_start3A_324 = tpu.memref_squeeze %dma_start3A_323 : memref<1x128xi32, #tpu.memory_space<hbm>> -> memref<128xi32, #tpu.memory_space<hbm>>
        tpu.enqueue_dma source(%dma_start3A_324 : memref<128xi32, #tpu.memory_space<hbm>>) target(%dma_start3A_321 : memref<128xi32, #tpu.memory_space<vmem>>) target_semaphore(%dma_start3A_318 : memref<!tpu.dma_semaphore, #tpu.memory_space<semaphore_mem>>)
      } else {
      }
      %add3A_293 = arith.constant 3 : i32
      %add3A_294 = arith.addi %scan3A_236, %add3A_293 : i32
      %sub3A_295 = arith.constant 1 : i32
      %sub3A_296 = arith.subi %add3A_294, %sub3A_295 : i32
      %lt3A_297 = arith.constant 200 : i32
      %lt3A_298 = arith.cmpi slt, %sub3A_296, %lt3A_297 : i32
      %convert_element_type3A_299 = arith.extui %lt3A_298 : i1 to i32
      %cond3A_300 = arith.constant 0 : i32
      %cond3A_301 = arith.cmpi ne, %convert_element_type3A_299, %cond3A_300 : i32
      scf.if %cond3A_301 {
        %add3A_302 = arith.constant 3 : i32
        %add3A_303 = arith.addi %scan3A_236, %add3A_302 : i32
        %sub3A_304 = arith.constant 1 : i32
        %sub3A_305 = arith.subi %add3A_303, %sub3A_304 : i32
        %add3A_306 = arith.addi %mul3A_2, %sub3A_305 : i32
        %rem3A_307 = arith.constant 6 : i32
        %rem3A_308 = arith.remsi %sub3A_305, %rem3A_307 : i32
        %rem3A_309 = arith.constant 6 : i32
        %rem3A_310 = arith.remsi %sub3A_305, %rem3A_309 : i32
        %dma_wait3A_311 = arith.constant 0 : i32
        %dma_wait3A_312 = tpu.memref_slice %arg7[%rem3A_308, %dma_wait3A_311] : memref<6x128xi32, #tpu.memory_space<vmem>> -> memref<1x128xi32, #tpu.memory_space<vmem>>
        %dma_wait3A_313 = tpu.memref_squeeze %dma_wait3A_312 : memref<1x128xi32, #tpu.memory_space<vmem>> -> memref<128xi32, #tpu.memory_space<vmem>>
        %dma_wait3A_314 = arith.constant 0 : i32
        %dma_wait3A_315 = tpu.memref_slice %arg2[%add3A_306, %dma_wait3A_314] : memref<6400x512xi32, #tpu.memory_space<hbm>> -> memref<1x128xi32, #tpu.memory_space<hbm>>
        %dma_wait3A_316 = tpu.memref_squeeze %dma_wait3A_315 : memref<1x128xi32, #tpu.memory_space<hbm>> -> memref<128xi32, #tpu.memory_space<hbm>>
        %dma_wait3A_317 = tpu.memref_slice %arg10[%rem3A_310] : memref<6x!tpu.dma_semaphore, #tpu.memory_space<semaphore_mem>> -> memref<1x!tpu.dma_semaphore, #tpu.memory_space<semaphore_mem>>
        %dma_wait3A_318 = tpu.memref_squeeze %dma_wait3A_317 : memref<1x!tpu.dma_semaphore, #tpu.memory_space<semaphore_mem>> -> memref<!tpu.dma_semaphore, #tpu.memory_space<semaphore_mem>>
        %dma_wait3A_319 = arith.constant 0 : i32
        %dma_wait3A_320 = tpu.memref_slice %arg7[%rem3A_308, %dma_wait3A_319] : memref<6x128xi32, #tpu.memory_space<vmem>> -> memref<1x128xi32, #tpu.memory_space<vmem>>
        %dma_wait3A_321 = tpu.memref_squeeze %dma_wait3A_320 : memref<1x128xi32, #tpu.memory_space<vmem>> -> memref<128xi32, #tpu.memory_space<vmem>>
        %dma_wait3A_322 = arith.constant 0 : i32
        %dma_wait3A_323 = tpu.memref_slice %arg2[%add3A_306, %dma_wait3A_322] : memref<6400x512xi32, #tpu.memory_space<hbm>> -> memref<1x128xi32, #tpu.memory_space<hbm>>
        %dma_wait3A_324 = tpu.memref_squeeze %dma_wait3A_323 : memref<1x128xi32, #tpu.memory_space<hbm>> -> memref<128xi32, #tpu.memory_space<hbm>>
        tpu.wait_dma2 semaphore(%dma_wait3A_318 : memref<!tpu.dma_semaphore, #tpu.memory_space<semaphore_mem>>) src(%dma_wait3A_324 : memref<128xi32, #tpu.memory_space<hbm>>) dst(%dma_wait3A_321 : memref<128xi32, #tpu.memory_space<vmem>>)
        %add3A_325 = arith.constant 3 : i32
        %add3A_326 = arith.addi %scan3A_236, %add3A_325 : i32
        %sub3A_327 = arith.constant 1 : i32
        %sub3A_328 = arith.subi %add3A_326, %sub3A_327 : i32
        %add3A_329 = arith.constant 3 : i32
        %add3A_330 = arith.addi %scan3A_236, %add3A_329 : i32
        %sub3A_331 = arith.constant 1 : i32
        %sub3A_332 = arith.subi %add3A_330, %sub3A_331 : i32
        %rem3A_333 = arith.constant 3 : i32
        %rem3A_334 = arith.remsi %sub3A_332, %rem3A_333 : i32
        %rem3A_335 = arith.constant 6 : i32
        %rem3A_336 = arith.remsi %sub3A_328, %rem3A_335 : i32
        %dma_start3A_337 = arith.constant 0 : i32
        %dma_start3A_338 = arith.constant 0 : i32
        %dma_start3A_339 = tpu.memref_slice %arg8[%rem3A_334, %dma_start3A_337, %dma_start3A_338] : memref<3x128x128xf32, #tpu.memory_space<vmem>> -> memref<1x128x128xf32, #tpu.memory_space<vmem>>
        %dma_start3A_340 = tpu.memref_squeeze %dma_start3A_339 : memref<1x128x128xf32, #tpu.memory_space<vmem>> -> memref<128x128xf32, #tpu.memory_space<vmem>>
        %dma_start3A_341 = arith.constant 0 : i32
        %dma_start3A_342 = tpu.memref_slice %arg7[%rem3A_336, %dma_start3A_341] : memref<6x128xi32, #tpu.memory_space<vmem>> -> memref<1x128xi32, #tpu.memory_space<vmem>>
        %dma_start3A_343 = tpu.memref_squeeze %dma_start3A_342 : memref<1x128xi32, #tpu.memory_space<vmem>> -> memref<128xi32, #tpu.memory_space<vmem>>
        %dma_start3A_344 = arith.constant 0 : i32
        %dma_start3A_345 = arith.constant 0 : i32
        %dma_start3A_346 = tpu.memref_slice %arg3[%dma_start3A_344, %dma_start3A_345] : memref<1000000x128xf32, #tpu.memory_space<hbm>> -> memref<1000000x128xf32, #tpu.memory_space<hbm>>
        %dma_start3A_347 = tpu.memref_slice %arg11[%rem3A_334] : memref<3x!tpu.dma_semaphore, #tpu.memory_space<semaphore_mem>> -> memref<1x!tpu.dma_semaphore, #tpu.memory_space<semaphore_mem>>
        %dma_start3A_348 = tpu.memref_squeeze %dma_start3A_347 : memref<1x!tpu.dma_semaphore, #tpu.memory_space<semaphore_mem>> -> memref<!tpu.dma_semaphore, #tpu.memory_space<semaphore_mem>>
        tpu.enqueue_indirect_dma source(%dma_start3A_346 : memref<1000000x128xf32, #tpu.memory_space<hbm>>) target(%dma_start3A_340 : memref<128x128xf32, #tpu.memory_space<vmem>>) offsets(%dma_start3A_343 : memref<128xi32, #tpu.memory_space<vmem>>) semaphore(%dma_start3A_348 : memref<!tpu.dma_semaphore, #tpu.memory_space<semaphore_mem>>)
      } else {
      }
    }
    %scan3A_191 = arith.constant 200 : i32
    %add3A_192 = arith.constant 198 : i32
    %add3A_193 = arith.addi %mul3A_2, %add3A_192 : i32
    %mul3A_194 = arith.constant 128 : i32
    %mul3A_195 = arith.muli %add3A_193, %mul3A_194 : i32
    %dma_wait3A_196 = arith.constant 0 : i32
    %dma_wait3A_197 = arith.constant 0 : i32
    %dma_wait3A_198 = arith.constant 0 : i32
    %dma_wait3A_199 = arith.constant 0 : i32
    %dma_wait3A_200 = tpu.memref_slice %arg9[%dma_wait3A_196, %dma_wait3A_198, %dma_wait3A_199] : memref<2x128x64xf32, #tpu.memory_space<vmem>> -> memref<1x128x64xf32, #tpu.memory_space<vmem>>
    %dma_wait3A_201 = tpu.memref_squeeze %dma_wait3A_200 : memref<1x128x64xf32, #tpu.memory_space<vmem>> -> memref<128x64xf32, #tpu.memory_space<vmem>>
    %dma_wait3A_202 = tpu.memref_reshape %arg5 : memref<4096x200x64xf32, #tpu.memory_space<hbm>> -> memref<819200x64xf32, #tpu.memory_space<hbm>>
    %dma_wait3A_203 = arith.constant 0 : i32
    %dma_wait3A_204 = tpu.memref_slice %dma_wait3A_202[%mul3A_195, %dma_wait3A_203] : memref<819200x64xf32, #tpu.memory_space<hbm>> -> memref<128x64xf32, #tpu.memory_space<hbm>>
    %dma_wait3A_205 = tpu.memref_slice %arg12[%dma_wait3A_197] : memref<2x!tpu.dma_semaphore, #tpu.memory_space<semaphore_mem>> -> memref<1x!tpu.dma_semaphore, #tpu.memory_space<semaphore_mem>>
    %dma_wait3A_206 = tpu.memref_squeeze %dma_wait3A_205 : memref<1x!tpu.dma_semaphore, #tpu.memory_space<semaphore_mem>> -> memref<!tpu.dma_semaphore, #tpu.memory_space<semaphore_mem>>
    %dma_wait3A_207 = tpu.memref_reshape %arg5 : memref<4096x200x64xf32, #tpu.memory_space<hbm>> -> memref<819200x64xf32, #tpu.memory_space<hbm>>
    %dma_wait3A_208 = arith.constant 0 : i32
    %dma_wait3A_209 = tpu.memref_slice %dma_wait3A_207[%mul3A_195, %dma_wait3A_208] : memref<819200x64xf32, #tpu.memory_space<hbm>> -> memref<128x64xf32, #tpu.memory_space<hbm>>
    %dma_wait3A_210 = arith.constant 0 : i32
    %dma_wait3A_211 = arith.constant 0 : i32
    %dma_wait3A_212 = tpu.memref_slice %arg9[%dma_wait3A_196, %dma_wait3A_210, %dma_wait3A_211] : memref<2x128x64xf32, #tpu.memory_space<vmem>> -> memref<1x128x64xf32, #tpu.memory_space<vmem>>
    %dma_wait3A_213 = tpu.memref_squeeze %dma_wait3A_212 : memref<1x128x64xf32, #tpu.memory_space<vmem>> -> memref<128x64xf32, #tpu.memory_space<vmem>>
    tpu.wait_dma2 semaphore(%dma_wait3A_206 : memref<!tpu.dma_semaphore, #tpu.memory_space<semaphore_mem>>) src(%dma_wait3A_213 : memref<128x64xf32, #tpu.memory_space<vmem>>) dst(%dma_wait3A_209 : memref<128x64xf32, #tpu.memory_space<hbm>>)
    %add3A_214 = arith.constant 199 : i32
    %add3A_215 = arith.addi %mul3A_2, %add3A_214 : i32
    %mul3A_216 = arith.constant 128 : i32
    %mul3A_217 = arith.muli %add3A_215, %mul3A_216 : i32
    %dma_wait3A_218 = arith.constant 1 : i32
    %dma_wait3A_219 = arith.constant 1 : i32
    %dma_wait3A_220 = arith.constant 0 : i32
    %dma_wait3A_221 = arith.constant 0 : i32
    %dma_wait3A_222 = tpu.memref_slice %arg9[%dma_wait3A_218, %dma_wait3A_220, %dma_wait3A_221] : memref<2x128x64xf32, #tpu.memory_space<vmem>> -> memref<1x128x64xf32, #tpu.memory_space<vmem>>
    %dma_wait3A_223 = tpu.memref_squeeze %dma_wait3A_222 : memref<1x128x64xf32, #tpu.memory_space<vmem>> -> memref<128x64xf32, #tpu.memory_space<vmem>>
    %dma_wait3A_224 = tpu.memref_reshape %arg5 : memref<4096x200x64xf32, #tpu.memory_space<hbm>> -> memref<819200x64xf32, #tpu.memory_space<hbm>>
    %dma_wait3A_225 = arith.constant 0 : i32
    %dma_wait3A_226 = tpu.memref_slice %dma_wait3A_224[%mul3A_217, %dma_wait3A_225] : memref<819200x64xf32, #tpu.memory_space<hbm>> -> memref<128x64xf32, #tpu.memory_space<hbm>>
    %dma_wait3A_227 = tpu.memref_slice %arg12[%dma_wait3A_219] : memref<2x!tpu.dma_semaphore, #tpu.memory_space<semaphore_mem>> -> memref<1x!tpu.dma_semaphore, #tpu.memory_space<semaphore_mem>>
    %dma_wait3A_228 = tpu.memref_squeeze %dma_wait3A_227 : memref<1x!tpu.dma_semaphore, #tpu.memory_space<semaphore_mem>> -> memref<!tpu.dma_semaphore, #tpu.memory_space<semaphore_mem>>
    %dma_wait3A_229 = tpu.memref_reshape %arg5 : memref<4096x200x64xf32, #tpu.memory_space<hbm>> -> memref<819200x64xf32, #tpu.memory_space<hbm>>
    %dma_wait3A_230 = arith.constant 0 : i32
    %dma_wait3A_231 = tpu.memref_slice %dma_wait3A_229[%mul3A_217, %dma_wait3A_230] : memref<819200x64xf32, #tpu.memory_space<hbm>> -> memref<128x64xf32, #tpu.memory_space<hbm>>
    %dma_wait3A_232 = arith.constant 0 : i32
    %dma_wait3A_233 = arith.constant 0 : i32
    %dma_wait3A_234 = tpu.memref_slice %arg9[%dma_wait3A_218, %dma_wait3A_232, %dma_wait3A_233] : memref<2x128x64xf32, #tpu.memory_space<vmem>> -> memref<1x128x64xf32, #tpu.memory_space<vmem>>
    %dma_wait3A_235 = tpu.memref_squeeze %dma_wait3A_234 : memref<1x128x64xf32, #tpu.memory_space<vmem>> -> memref<128x64xf32, #tpu.memory_space<vmem>>
    tpu.wait_dma2 semaphore(%dma_wait3A_228 : memref<!tpu.dma_semaphore, #tpu.memory_space<semaphore_mem>>) src(%dma_wait3A_235 : memref<128x64xf32, #tpu.memory_space<vmem>>) dst(%dma_wait3A_231 : memref<128x64xf32, #tpu.memory_space<hbm>>)
    return
  }
}

</mosaic_0001>

<sc_bundles>
// kernel: kernel.3.cloned.1.call-start
scs
__scs_entry_jumppad:
0x0: {  	(pc) =	sbr.rel $0x88, $3  }
0x1: {  	(tag) =	ssettag $0x0;
	lr =	simm.s32 $0x1  }
0x2: {  	[smem:$0x3F9F] =	sst lr;
	_ =	strace $0xD0000000  }
0x3: {  	_ = 	snop  }
0x4: {  	_ = 	snop  }
0x5: {  	_ = 	snop  }
0x6: {  	_ = 	snop  }
0x7: {  	_ = 	snop  }
__scs_overlays_trampoline_lowered:
0x8: {  	[smem:$0x3FAE] =	sst s0  }
0x9: {  	[smem:$0x3FAF] =	sst s1  }
0xa: {  	[smem:$0x3FB0] =	sst s2  }
0xb: {  	[smem:$0x3FB1] =	sst s3  }
0xc: {  	[smem:$0x3FB2] =	sst s4  }
0xd: {  	[smem:$0x3FB3] =	sst s5  }
0xe: {  	[smem:$0x3FB4] =	sst s6  }
0xf: {  	[smem:$0x3FB5] =	sst s7  }
0x10: {  	[smem:$0x3FB6] =	sst s8  }
0x11: {  	[smem:$0x3FB7] =	sst s9;
	s0 =	simm.s32 @!p0 $0x0  }
0x12: {  	s1 =	sld [smem:$0x3F9D];
	s0 =	simm.s32 @p0 $0x1  }
0x13: {  	[smem:$0x3FB8] =	sst s0;
	s0 =	simm.s32 @!p1 $0x0  }
0x14: {  	s2 =	sld [smem:$0x3F9C];
	s0 =	simm.s32 @p1 $0x1  }
0x15: {  	[smem:$0x3FB9] =	sst s0;
	s0 =	simm.s32 @!p2 $0x0  }
0x16: {  	s3 =	sld [smem:$0x3FDB];
	s0 =	simm.s32 @p2 $0x1  }
0x17: {  	s4 =	simm.s32 $0x1BF5;
	[smem:$0x3FBB] =	sst s0  }
0x18: {  	s0 =	sld [smem:$0x3F9E];
	_ =	swait.ge [sflag:s4], $0x0  }
0x19: {  	s7 =	sld [smem:$0x3F9F]  }
0x1a: {  	s8 =	sadd.s32 $0xFFFFE003, lr  }
0x1b: {  	s9 =	sadd.s32 $0xFFFFFEF7, lr;
	s5 =	simm.s32 $0xFFFFFFFF;
	p2 =	slt.u32 s8, $0xFFFFF086  }
0x1c: {  	p1 =	slt.u32 s9, $0xF7A;
	s5 =	simm.s32 @!p2 $0x0  }
0x1d: {  	s5 =	simm.s32 @p1 $0x1;
	p0 =	seq.s32 s7, s2  }
0x1e: {  	s7 =	smul.u32 @!p0 $0xF7A, s2;
	p2 =	seq.s32 @!p0 s5, $0x0  }
0x1f: {  	s9 =	smul.u32 $0xF7A, s1;
	s8 =	simm.s32 @!p0 $0x1BF5;
	p2 =	por !p2, p0  }
0x20: {  	[sflag:s8] =	ssyncset.s32 @!p0 $0xFFFFF086;
	s6 =	sadd.s32 @!p0 s3, s7;
	s7 =	simm.s32 @!p0 $0x108  }
0x21: {  	s3 =	sadd.s32 s3, s9;
	s6 =	sadd.s32 @!p0 $0x88, s6;
	s7 =	simm.s32 @p2 $0x1082  }
0x22: {  	[simem:s7], [sflag:s8] =	dma.local @!p0 [hbm:s6], $0xF7A  }
0x23: {  	s9 =	sor.u32 $0xD0000000, s2;
	s6 =	simm.s32 $0x108;
	_ =	swait.ge @!p0 [sflag:s8], $0x0  }
0x24: {  	s3 =	sadd.s32 $0x88, s3;
	s6 =	simm.s32 @!p1 $0x1082;
	[sflag:s4] =	ssyncset.s32 $0xFFFFF086  }
0x25: {  	[simem:s6], [sflag:s4] =	dma.local [hbm:s3], $0xF7A  }
0x26: {  	[smem:$0x3F9F] =	sst s1;
	(tag) =	ssettag s2;
	_ =	strace s9  }
0x27: {  	s1 =	sld [smem:$0x3FAF]  }
0x28: {  	s2 =	sld [smem:$0x3FB0]  }
0x29: {  	s4 =	sld [smem:$0x3FB2]  }
0x2a: {  	p0 =	seq.s32 s5, $0x0;
	s5 =	sld [smem:$0x3FB3]  }
0x2b: {  	s6 =	sld [smem:$0x3FB4]  }
0x2c: {  	s7 =	sld [smem:$0x3FB5]  }
0x2d: {  	s3 =	simm.s32 $0x108;
	s8 =	sld [smem:$0x3FB6]  }
0x2e: {  	s3 =	simm.s32 @!p0 $0x1082;
	s9 =	sld [smem:$0x3FB7]  }
0x2f: {  	lr =	sadd.s32 s0, s3;
	s0 =	sld [smem:$0x3FAE]  }
0x30: {  	s3 =	sld [smem:$0x3FB1]  }
0x31: {  	[smem:$0x3FBA] =	sst s10  }
0x32: {  	s10 =	sld [smem:$0x3FB8];
	_ =	sdelay $0x3  }
0x33: {  	p0 =	seq.s32 s10, $0x1;
	s10 =	sld [smem:$0x3FBA];
	_ =	sdelay $0x3  }
0x34: {  	[smem:$0x3FBA] =	sst s10  }
0x35: {  	s10 =	sld [smem:$0x3FB9];
	_ =	sdelay $0x3  }
0x36: {  	p1 =	seq.s32 s10, $0x1;
	s10 =	sld [smem:$0x3FBA];
	_ =	sdelay $0x3  }
0x37: {  	[smem:$0x3FBA] =	sst s10  }
0x38: {  	s10 =	sld [smem:$0x3FBB]  }
0x39: {  	_ = 	snop;
	(pc) =	sbr.ind lr, $3  }
0x3a: {  	_ = 	snop  }
0x3b: {  	_ = 	snop  }
0x3c: {  	p2 =	seq.s32 s10, $0x1;
	s10 =	sld [smem:$0x3FBA]  }
0x3d: {  	_ =	shalt  }
0x3e: {  	_ =	shalt  }
0x3f: {  	_ =	shalt  }
0x40: {  	_ =	shalt  }
0x41: {  	_ =	shalt  }
0x42: {  	_ =	shalt  }
0x43: {  	_ =	shalt  }
0x44: {  	_ =	shalt  }
0x45: {  	_ =	shalt  }
0x46: {  	_ =	shalt  }
0x47: {  	_ =	shalt  }
0x48: {  	_ =	shalt  }
0x49: {  	_ =	shalt  }
0x4a: {  	_ =	shalt  }
0x4b: {  	_ =	shalt  }
0x4c: {  	_ =	shalt  }
0x4d: {  	_ =	shalt  }
0x4e: {  	_ =	shalt  }
0x4f: {  	_ =	shalt  }
0x50: {  	_ =	shalt  }
0x51: {  	_ =	shalt  }
0x52: {  	_ =	shalt  }
0x53: {  	_ =	shalt  }
0x54: {  	_ =	shalt  }
0x55: {  	_ =	shalt  }
0x56: {  	_ =	shalt  }
0x57: {  	_ =	shalt  }
0x58: {  	_ =	shalt  }
0x59: {  	_ =	shalt  }
0x5a: {  	_ =	shalt  }
0x5b: {  	_ =	shalt  }
0x5c: {  	_ =	shalt  }
0x5d: {  	_ =	shalt  }
0x5e: {  	_ =	shalt  }
0x5f: {  	_ =	shalt  }
0x60: {  	_ =	shalt  }
0x61: {  	_ =	shalt  }
0x62: {  	_ =	shalt  }
0x63: {  	_ =	shalt  }
0x64: {  	_ =	shalt  }
0x65: {  	_ =	shalt  }
0x66: {  	_ =	shalt  }
0x67: {  	_ =	shalt  }
0x68: {  	_ =	shalt  }
0x69: {  	_ =	shalt  }
0x6a: {  	_ =	shalt  }
0x6b: {  	_ =	shalt  }
0x6c: {  	_ =	shalt  }
0x6d: {  	_ =	shalt  }
0x6e: {  	_ =	shalt  }
0x6f: {  	_ =	shalt  }
0x70: {  	_ =	shalt  }
0x71: {  	_ =	shalt  }
0x72: {  	_ =	shalt  }
0x73: {  	_ =	shalt  }
0x74: {  	_ =	shalt  }
0x75: {  	_ =	shalt  }
0x76: {  	_ =	shalt  }
0x77: {  	_ =	shalt  }
0x78: {  	_ =	shalt  }
0x79: {  	_ =	shalt  }
0x7a: {  	_ =	shalt  }
0x7b: {  	_ =	shalt  }
0x7c: {  	_ =	shalt  }
0x7d: {  	_ =	shalt  }
0x7e: {  	_ =	shalt  }
0x7f: {  	_ =	shalt  }
0x80: {  	_ =	shalt  }
0x81: {  	_ =	shalt  }
0x82: {  	_ =	shalt  }
0x83: {  	_ =	shalt  }
0x84: {  	_ =	shalt  }
0x85: {  	_ =	shalt  }
0x86: {  	_ =	shalt  }
0x87: {  	_ =	shalt  }
.Lfunc_end0:
.L_simem_size_0:
called_computation_lowered:
.L_overlay_start_0:
0x88: {  	s2 =	sld [smem:$0x3FD9]  }
0x89: {  	s3 =	sld [smem:$0x3FFE];
	_ =	sdelay $0x1  }
0x8a: {  	s1 =	srdreg.scid  }
0x8b: {  	s0 =	sand.u32 $0x1, s1  }
0x8c: {  	s17 =	sshll.u32 s0, $0xA;
	s2 =	sadd.s32 s3, s2  }
0x8d: {  	s2 =	sadd.s32 s2, s17  }
0x8e: {  	[smem:$0x3FC6] =	sst s2  }
0x8f: {  	_ = 	snop  }
0x90: {  	s2 =	sld [smem:$0x3FD0];
	(tm) =	ssettm $0x1  }
0x91: {  	s18 =	sld [smem:$0x3FFB];
	_ =	sdelay $0x3  }
0x92: {  	_ =	strace s18  }
0x93: {  	s3 =	sld [smem:$0x3FFC];
	_ =	sdelay $0x3  }
0x94: {  	_ =	strace s3  }
0x95: {  	s3 =	sld [smem:$0x3FFD];
	_ =	sdelay $0x3  }
0x96: {  	_ =	strace s3  }
0x97: {  	_ =	strace $0x8FFFFFFF  }
0x98: {  	s19 =	sld [smem:$0x3FDB];
	_ =	sdelay $0x1  }
0x99: {  	s4 =	simm.s32 $_scs_section_size  }
0x9a: {  	s5 =	simm.s32 $_size__tile_overlayer_lowered;
	s6 =	simm.s32 $_tile_overlayer_lowered  }
0x9b: {  	s22 =	simm.s32 $0x1BFF;
	s21 =	sshll.u32 s6, $0x1;
	s3 =	sadd.s32 s4, s19  }
0x9c: {  	s7 =	simm.s32 $0x0;
	s20 =	sshll.u32 s5, $0x1;
	s5 =	sadd.s32 s21, s3  }
0x9d: {  	[timem:s7], [sflag:s22] =	dma.local [hbm:s5], s20  }
0x9e: {  	_ =	swait.ge [sflag:s22], s20  }
0x9f: {  	s4 =	ssub.s32 $0x0, s20;
	[sflag:s22] =	ssyncset.done $0x0  }
0xa0: {  	[sflag:s22] =	ssyncadd.s32 s4;
	_ =	sdelay $0x1  }
0xa1: {  	s23 =	simm.s32 $0x1B8B  }
0xa2: {  	_ =	swait.ge [sflag:s23], $0x1  }
0xa3: {  	[sflag:s23] =	ssyncset.done $0x0  }
0xa4: {  	s25 =	simm.s32 $0x1B8E;
	s24 =	sld [smem:$0x3FFE];
	[sflag:s23] =	ssyncadd.s32 $0xFFFFFFFF  }
0xa5: {  	s26 =	simm.s32 $execute0_lowered;
	[smem:$0x3FD2] =	sst s25  }
0xa6: {  	s5 =	sshll.u32 s26, $0x1;
	_ =	strace $0x80000046;
	[dreg:$0x1] =	wrdreg $0xFFFFFFFF  }
0xa7: {  	s28 =	simm.s32 $_size_execute0_lowered;
	s3 =	sadd.s32 s3, s5;
	[dreg:$0x0] =	wrdreg $0x0  }
0xa8: {  	s5 =	sshll.u32 s28, $0x1;
	[dreg:$0x2] =	wrdreg s3  }
0xa9: {  	[dreg:$0x3] =	wrdreg s5  }
0xaa: {  	[dreg:$0x4] =	wrdreg $0xC0  }
0xab: {  	_ =	task [dreg:s7], $0x5FFFF  }
0xac: {  	[dreg:$0x1] =	wrdreg $0xFFFFFFFF  }
0xad: {  	[dreg:$0x0] =	wrdreg $0x60  }
0xae: {  	[dreg:$0x2] =	wrdreg s2  }
0xaf: {  	[dreg:$0x3] =	wrdreg s24  }
0xb0: {  	[dreg:$0x4] =	wrdreg $0x9  }
0xb1: {  	_ =	task.clear_ibuf [dreg:s7], $0x5FFFF;
	_ =	strace $0x90000046  }
0xb2: {  	s29 =	simm.s32 $0x9;
	_ =	strace $0x80000048  }
0xb3: {  	_ =	swait.ge [sflag:s29], $0x1  }
0xb4: {  	[sflag:s29] =	ssyncadd.s32 $0xFFFFFFFF  }
0xb5: {  	_ =	strace $0x90000048  }
0xb6: {  	_ =	sfence  }
0xb7: {  	s30 =	sld [smem:$0x0];
	_ =	sdelay $0x2  }
0xb8: {  	s31 =	sshll.u32 s1, $0xD;
	s1 =	sshrl.u32 s1, $0x2  }
0xb9: {  	s3 =	sand.u32 $0x4000, s31;
	s1 =	sadd.s32 s1, s30  }
0xba: {  	s0 =	sor.u32 s3, s0;
	s1 =	sshll.u32 s1, $0x11  }
0xbb: {  	s0 =	sor.u32 s1, s0  }
0xbc: {  	s0 =	sadd.s32 $0x8F2B, s0  }
0xbd: {  	[sflag:s0] =	ssyncadd.remote.s32 $0x1  }
0xbe: {  	_ =	sfence.sel $0xFFFF  }
0xbf: {  	[dreg:$0x0] =	wrdreg $0xFFFFFFFF;
	(pc) =	sbr.abs _section_cstart, $3  }
0xc0: {  	[dreg:$0x1] =	wrdreg $0xFFFFFFFF  }
0xc1: {  	_ =	task.clear_ibuf [dreg:s7], $0x2FFFF;
	_ =	strace $0x9FFFFFFF  }
0xc2: {  	(tm) =	ssettm $0x7FFFFFFF  }
0xc3: {  	_ =	shalt  }
tec
execute0_lowered:
.L_overlay_start_1:
0x0: {  	(tag) =	ssettag $0x1  }
0x1: {  	s2 =	rddreg [dreg:$0x0]  }
0x2: {  	s7 =	rddreg [dreg:$0x1]  }
0x3: {  	s0 =	srdreg.scid;
	s9 =	stileid.u32;
	s4 =	simm.s32 $0x0  }
0x4: {  	s16 =	simm.s32 $0xC;
	s17 =	simm.s32 $0xA400;
	s18 =	simm.s32 $0xA480  }
0x5: {  	s22 =	simm.s32 $0x1;
	s23 =	simm.s32 $0x80;
	s24 =	simm.s32 $0x2  }
0x6: {  	s28 =	simm.s32 $0xB;
	s29 =	simm.s32 $0x0;
	s12 =	smul.u32 $0x1900000, s9  }
0x7: {  	s0 =	sand.u32 $0x1, s0;
	s1 =	sshll.u32 s9, $0x1;
	s14 =	smul.u32 $0xC800, s9  }
0x8: {  	[smem:$0x7FF] =	sst s4;
	s1 =	sor.u32 s0, s1;
	s15 =	smul.u32 $0x6400, s0  }
0x9: {  	s6 =	sadd.s32 $0xF43A00, s7;
	s3 =	ssub.s32 $0x2, s0;
	s5 =	smul.u32 $0xC8, s1  }
0xa: {  	s7 =	sadd.s32 $0x1600, s7;
	s1 =	smul.u32 $0x3200, s1;
	s8 =	sshrl.u32 s3, $0x1  }
0xb: {  	_ =	strace $0x80000047;
	s25 =	smul.u32 $0xC80000, s0;
	s3 =	ssub.s32 s3, s8  }
.Ltmp0:
0xc: {  	s15 =	sadd.s32 s15, s14;
	s8 =	sadd.s32 s2, s1;
	(pc) =	sbr.rel .LBB2_1-.Ltmp0, $4  }
0xd: {  	s1 =	sadd.s32 s25, s12;
	s13 =	smax.u32 s3, $0x1;
	s10 =	sadd.s32 $0x10, s8  }
0xe: {  	s26 =	sadd.s32 $0x20, s8;
	s30 =	sadd.s32 $0x30, s8;
	[dreg:$0x3] =	wrdreg s10  }
0xf: {  	s12 =	sadd.s32 $0x40, s8;
	s31 =	sor.u32 $0xEC0, s1;
	[dreg:$0x4] =	wrdreg s26  }
0x10: {  	[dreg:$0x5] =	wrdreg s30;
	s0 =	sshrl.u32 s31, $0x2;
	s26 =	simm.s32 $0xA  }
.LBB2_9:
0x11: {  	s29 =	sadd.s32 $0x1, s29  }
0x12: {  	_ =	swait.ge [sflag:s26], $0x4000;
	p0 =	sne.s32 s29, s13  }
.Ltmp1:
0x13: {  	[sflag:s26] =	ssyncset.done $0x0;
	(pc) =	sbr.rel @!p0 .LBB2_10-.Ltmp1, $4  }
0x14: {  	[sflag:s26] =	ssyncadd.s32 $0xFFFFC000  }
0x15: {  	_ =	swait.ge [sflag:s28], $0x4000  }
0x16: {  	[sflag:s28] =	ssyncset.done $0x0  }
0x17: {  	[sflag:s28] =	ssyncadd.s32 $0xFFFFC000  }
.LBB2_1:
0x18: {  	s1 =	rddreg [dreg:$0x1]  }
0x19: {  	[tilespmem:s4], [sflag:$0xC] =	stream.linear.gather [hbm4b:s1+s4], $0xA400, $0x38;
	[tilespmem:$0x1E800] =	vst v63  }
0x1a: {  	_ =	swait.ge [sflag:s16], $0xA400  }
0x1b: {  	[sflag:s16] =	ssyncset.done $0x0  }
0x1c: {  	[sflag:s16] =	ssyncadd.s32 $0xFFFF5C00  }
0x1d: {  	[tilespmem:s17], [sflag:$0x1] =	stream.linear.gather [hbm4b:s8+s4], $0x80, $0x38;
	[tilespmem:$0x1E800] =	vst v63  }
0x1e: {  	s11 =	rddreg [dreg:$0x3]  }
0x1f: {  	[tilespmem:s18], [sflag:$0x2] =	stream.linear.gather [hbm4b:s11+s4], $0x80, $0x38;
	[tilespmem:$0x1E800] =	vst v63  }
0x20: {  	s3 =	simm.s32 $0xA500;
	s14 =	rddreg [dreg:$0x4]  }
0x21: {  	[tilespmem:s3], [sflag:$0x3] =	stream.linear.gather [hbm4b:s14+s4], $0x80, $0x38;
	[tilespmem:$0x1E800] =	vst v63  }
0x22: {  	s20 =	simm.s32 $0xA580;
	s19 =	rddreg [dreg:$0x5]  }
0x23: {  	[tilespmem:s20], [sflag:$0x4] =	stream.linear.gather [hbm4b:s19+s4], $0x80, $0x38;
	[tilespmem:$0x1E800] =	vst v63  }
0x24: {  	s21 =	simm.s32 $0xA600  }
0x25: {  	[tilespmem:s21], [sflag:$0x5] =	stream.linear.gather [hbm4b:s12+s4], $0x80, $0x38;
	[tilespmem:$0x1E800] =	vst v63  }
0x26: {  	_ =	swait.ge [sflag:s22], $0x80  }
0x27: {  	[sflag:s22] =	ssyncset.done $0x0  }
0x28: {  	s30 =	simm.s32 $0xA800;
	[sflag:s22] =	ssyncadd.s32 $0xFFFFFF80  }
0x29: {  	[tilespmem:s30], [sflag:$0x7] =	stream.indirect.gather [hbm4b:s6+s23], $0x80, s17, s23, $0xb8;
	[tilespmem:$0x1E800] =	vst v63  }
.Ltmp2:
0x2a: {  	_ = 	snop;
	(pc) =	sbr.rel .LBB2_2-.Ltmp2, $4  }
0x2b: {  	s25 =	simm.s32 $0xE800;
	_ =	swait.ge [sflag:s24], $0x80  }
0x2c: {  	p0 =	por $0x0, $0x0;
	s31 =	smov.u32 s15;
	[sflag:s24] =	ssyncset.done $0x0  }
0x2d: {  	s1 =	simm.s32 $0x0;
	s14 =	smov.u32 s0;
	[sflag:s24] =	ssyncadd.s32 $0xFFFFFF80  }
0x2e: {  	[tilespmem:s25], [sflag:$0x8] =	stream.indirect.gather [hbm4b:s6+s23], $0x80, s18, s23, $0xb8;
	[tilespmem:$0x1E800] =	vst v63  }
.LBB2_5:
0x2f: {  	s3 =	sadd.s32 $0x5, s1  }
0x30: {  	s9 =	smul.u32 $0xAB, s3;
	_ =	sdelay $0x1  }
0x31: {  	s9 =	sshrl.u32 s9, $0xA  }
0x32: {  	s9 =	sand.u32 $0x3F, s9  }
0x33: {  	s9 =	smul.u32 $0x6, s9;
	_ =	sdelay $0x1  }
0x34: {  	s10 =	sadd.s32 s5, s3;
	s11 =	sshll.u32 s3, $0x4;
	s3 =	ssub.s32 s3, s9  }
0x35: {  	s20 =	sshll.u32 s10, $0x6;
	s21 =	sand.u32 $0x70, s11;
	s3 =	sand.u32 $0xFF, s3  }
0x36: {  	s10 =	sadd.s32 s2, s21;
	s9 =	sand.u32 $0xFFFFE00, s20;
	s25 =	sshll.u32 s3, $0x7  }
0x37: {  	s9 =	sadd.s32 s9, s10;
	s3 =	sadd.s32 $0x1, s3;
	s11 =	sor.u32 $0xA400, s25  }
0x38: {  	[tilespmem:s11], [sflag:s3] =	stream.linear.gather [hbm4b:s9+s4], $0x80, $0x38;
	[tilespmem:$0x1E800] =	vst v63  }
.LBB2_7:
0x39: {  	s3 =	sadd.s32 $0x2, s1  }
0x3a: {  	s9 =	sand.u32 $0xFF, s3  }
0x3b: {  	s9 =	smul.u32 $0xAB, s9;
	_ =	sdelay $0x1  }
0x3c: {  	s10 =	sshrl.u32 s9, $0xA  }
0x3d: {  	s10 =	smul.u32 $0x6, s10  }
0x3e: {  	s9 =	sshrl.u32 s9, $0x9  }
0x3f: {  	s9 =	smul.u32 $0x3, s9;
	s10 =	ssub.s32 s3, s10  }
0x40: {  	s10 =	sand.u32 $0xFF, s10  }
0x41: {  	s3 =	ssub.s32 s3, s9;
	s11 =	sadd.s32 $0x1, s10  }
0x42: {  	s3 =	sand.u32 $0xFF, s3;
	s21 =	sshll.u32 s10, $0x7;
	_ =	swait.ge [sflag:s11], $0x80  }
0x43: {  	s25 =	sshll.u32 s3, $0xE;
	s3 =	sadd.s32 $0x7, s3;
	[sflag:s11] =	ssyncset.done $0x0  }
0x44: {  	s9 =	sor.u32 $0xA400, s21;
	s10 =	sadd.s32 $0xA800, s25;
	[sflag:s11] =	ssyncadd.s32 $0xFFFFFF80  }
0x45: {  	[tilespmem:s10], [sflag:s3] =	stream.indirect.gather [hbm4b:s6+s23], $0x80, s9, s23, $0xb8;
	[tilespmem:$0x1E800] =	vst v63  }
.LBB2_8:
0x46: {  	s1 =	sadd.s32 $0x1, s1  }
0x47: {  	p1 =	sne.s32 s1, $0xC8  }
.Ltmp3:
0x48: {  	_ = 	snop;
	(pc) =	sbr.rel @!p1 .LBB2_9-.Ltmp3, $3  }
0x49: {  	_ =	sdelay $0x1  }
0x4a: {  	s14 =	sadd.s32 $0x4000, s14  }
0x4b: {  	s31 =	sadd.s32 $0x80, s31;
	p0 =	por !p0, !p0;
	s30 =	sadd.s32 $0x4000, s30  }
.LBB2_2:
0x4c: {  	s3 =	smul.u32 $0xAB, s1;
	_ =	sdelay $0x1  }
0x4d: {  	s3 =	sshrl.u32 s3, $0x9  }
0x4e: {  	s19 =	smulhi.u32 $0x51EB851F, s31;
	s3 =	sand.u32 $0x7F, s3  }
0x4f: {  	s3 =	smul.u32 $0x3, s3  }
0x50: {  	s20 =	smulhi.u32 $0xAAAAAAAB, s1;
	s21 =	simm.s32 $0x1  }
0x51: {  	p1 =	slt.u32 s1, $0x2;
	s21 =	simm.s32 @!p0 $0x0;
	s3 =	ssub.s32 s1, s3  }
0x52: {  	s19 =	sshrl.u32 s19, $0x6;
	s20 =	sshrl.u32 s20, $0x1;
	s3 =	sand.u32 $0xFF, s3  }
0x53: {  	s11 =	sshll.u32 s21, $0xE;
	s20 =	smul.u32 $0xFFFD0000, s20;
	s25 =	sadd.s32 $0x7, s3  }
0x54: {  	s19 =	smul.u32 $0xFFFE7000, s19;
	s10 =	sadd.s32 $0x16BB0, s11;
	_ =	swait.ge [sflag:s25], $0x4000  }
0x55: {  	s21 =	sshra.s32 s20, $0x2;
	s3 =	sand.u32 $0x1, s1;
	[sflag:s25] =	ssyncset.done $0x0  }
0x56: {  	s11 =	sadd.s32 s21, s30;
	[sflag:s25] =	ssyncadd.s32 $0xFFFFC000;
	s25 =	sor.u32 @!p1 $0xA, s3  }
0x57: {  	s19 =	sshra.s32 s19, $0x2;
	v0 =	vmov s11;
	_ =	swait.ge @!p1 [sflag:s25], $0x4000  }
0x58: {  	s9 =	sadd.s32 s19, s14;
	[sflag:s25] =	ssyncset.done @!p1 $0x0  }
0x59: {  	v1 =	vmov s9;
	[sflag:s25] =	ssyncadd.s32 @!p1 $0xFFFFC000;
	s25 =	sshll.u32 s3, $0xE  }
0x5a: {  	v2 =	vmov s10;
	s20 =	sadd.s32 s5, s1;
	s21 =	simm.s32 $0x0;
	s19 =	sadd.s32 $0x16800, s25  }
.LBB2_3:
0x5b: {  	s25 =	sshra.s32 s21, $0x2  }
0x5c: {  	v3 =	vld.idx.msk [tilespmem:v0+s25+$0x0 ss:$0x1], $0xffff;
	_ =	sdelay $0x1  }
0x5d: {  	v4 =	vld.idx.msk [tilespmem:v1+s25+$0xFFFFFC50 ss:$0x1], $0xffff;
	_ =	sdelay $0x2  }
0x5e: {  	v3 =	vmul.f32 $8.000000000e+00, v3;
	_ =	sdelay $0x1  }
0x5f: {  	v3 =	vadd.f32 v4, v3;
	_ =	sdelay $0x1  }
0x60: {  	[tilespmem:v2+s25+$0xFFFFFC50 ss:$0x1] =	vst.idx.msk $0xffff, v3  }
0x61: {  	v3 =	vld.idx.msk [tilespmem:v0+s25+$0x10 ss:$0x1], $0xffff;
	_ =	sdelay $0x1  }
0x62: {  	v33 =	vld.idx.msk [tilespmem:v1+s25+$0xFFFFFC60 ss:$0x1], $0xffff;
	_ =	sdelay $0x2  }
0x63: {  	v3 =	vmul.f32 $8.000000000e+00, v3;
	_ =	sdelay $0x1  }
0x64: {  	v3 =	vadd.f32 v33, v3;
	_ =	sdelay $0x1  }
0x65: {  	[tilespmem:v2+s25+$0xFFFFFC60 ss:$0x1] =	vst.idx.msk $0xffff, v3  }
0x66: {  	v3 =	vld.idx.msk [tilespmem:v0+s25+$0x20 ss:$0x1], $0xffff;
	_ =	sdelay $0x1  }
0x67: {  	v34 =	vld.idx.msk [tilespmem:v1+s25+$0xFFFFFC70 ss:$0x1], $0xffff;
	_ =	sdelay $0x2  }
0x68: {  	v3 =	vmul.f32 $8.000000000e+00, v3;
	_ =	sdelay $0x1  }
0x69: {  	v3 =	vadd.f32 v34, v3;
	_ =	sdelay $0x1  }
0x6a: {  	[tilespmem:v2+s25+$0xFFFFFC70 ss:$0x1] =	vst.idx.msk $0xffff, v3  }
0x6b: {  	v3 =	vld.idx.msk [tilespmem:v0+s25+$0x30 ss:$0x1], $0xffff;
	_ =	sdelay $0x1  }
0x6c: {  	v35 =	vld.idx.msk [tilespmem:v1+s25+$0xFFFFFC80 ss:$0x1], $0xffff;
	_ =	sdelay $0x2  }
0x6d: {  	v3 =	vmul.f32 $8.000000000e+00, v3;
	_ =	sdelay $0x1  }
0x6e: {  	v3 =	vadd.f32 v35, v3;
	_ =	sdelay $0x1  }
0x6f: {  	[tilespmem:v2+s25+$0xFFFFFC80 ss:$0x1] =	vst.idx.msk $0xffff, v3  }
0x70: {  	v3 =	vld.idx.msk [tilespmem:v0+s25+$0x80 ss:$0x1], $0xffff;
	_ =	sdelay $0x1  }
0x71: {  	v36 =	vld.idx.msk [tilespmem:v1+s25+$0xFFFFFCD0 ss:$0x1], $0xffff;
	_ =	sdelay $0x2  }
0x72: {  	v3 =	vmul.f32 $8.000000000e+00, v3;
	_ =	sdelay $0x1  }
0x73: {  	v3 =	vadd.f32 v36, v3;
	_ =	sdelay $0x1  }
0x74: {  	[tilespmem:v2+s25+$0xFFFFFCD0 ss:$0x1] =	vst.idx.msk $0xffff, v3  }
0x75: {  	v3 =	vld.idx.msk [tilespmem:v0+s25+$0x90 ss:$0x1], $0xffff;
	_ =	sdelay $0x1  }
0x76: {  	v37 =	vld.idx.msk [tilespmem:v1+s25+$0xFFFFFCE0 ss:$0x1], $0xffff;
	_ =	sdelay $0x2  }
0x77: {  	v3 =	vmul.f32 $8.000000000e+00, v3;
	_ =	sdelay $0x1  }
0x78: {  	v3 =	vadd.f32 v37, v3;
	_ =	sdelay $0x1  }
0x79: {  	[tilespmem:v2+s25+$0xFFFFFCE0 ss:$0x1] =	vst.idx.msk $0xffff, v3  }
0x7a: {  	v3 =	vld.idx.msk [tilespmem:v0+s25+$0xA0 ss:$0x1], $0xffff;
	_ =	sdelay $0x1  }
0x7b: {  	v38 =	vld.idx.msk [tilespmem:v1+s25+$0xFFFFFCF0 ss:$0x1], $0xffff;
	_ =	sdelay $0x2  }
0x7c: {  	v3 =	vmul.f32 $8.000000000e+00, v3;
	_ =	sdelay $0x1  }
0x7d: {  	v3 =	vadd.f32 v38, v3;
	_ =	sdelay $0x1  }
0x7e: {  	[tilespmem:v2+s25+$0xFFFFFCF0 ss:$0x1] =	vst.idx.msk $0xffff, v3  }
0x7f: {  	v3 =	vld.idx.msk [tilespmem:v0+s25+$0xB0 ss:$0x1], $0xffff;
	_ =	sdelay $0x1  }
0x80: {  	v39 =	vld.idx.msk [tilespmem:v1+s25+$0xFFFFFD00 ss:$0x1], $0xffff;
	_ =	sdelay $0x2  }
0x81: {  	v3 =	vmul.f32 $8.000000000e+00, v3;
	_ =	sdelay $0x1  }
0x82: {  	v3 =	vadd.f32 v39, v3;
	_ =	sdelay $0x1  }
0x83: {  	[tilespmem:v2+s25+$0xFFFFFD00 ss:$0x1] =	vst.idx.msk $0xffff, v3  }
0x84: {  	v3 =	vld.idx.msk [tilespmem:v0+s25+$0x100 ss:$0x1], $0xffff;
	_ =	sdelay $0x1  }
0x85: {  	v40 =	vld.idx.msk [tilespmem:v1+s25+$0xFFFFFD50 ss:$0x1], $0xffff;
	_ =	sdelay $0x2  }
0x86: {  	v3 =	vmul.f32 $8.000000000e+00, v3;
	_ =	sdelay $0x1  }
0x87: {  	v3 =	vadd.f32 v40, v3;
	_ =	sdelay $0x1  }
0x88: {  	[tilespmem:v2+s25+$0xFFFFFD50 ss:$0x1] =	vst.idx.msk $0xffff, v3  }
0x89: {  	v3 =	vld.idx.msk [tilespmem:v0+s25+$0x110 ss:$0x1], $0xffff;
	_ =	sdelay $0x1  }
0x8a: {  	v41 =	vld.idx.msk [tilespmem:v1+s25+$0xFFFFFD60 ss:$0x1], $0xffff;
	_ =	sdelay $0x2  }
0x8b: {  	v3 =	vmul.f32 $8.000000000e+00, v3;
	_ =	sdelay $0x1  }
0x8c: {  	v3 =	vadd.f32 v41, v3;
	_ =	sdelay $0x1  }
0x8d: {  	[tilespmem:v2+s25+$0xFFFFFD60 ss:$0x1] =	vst.idx.msk $0xffff, v3  }
0x8e: {  	v3 =	vld.idx.msk [tilespmem:v0+s25+$0x120 ss:$0x1], $0xffff;
	_ =	sdelay $0x1  }
0x8f: {  	v42 =	vld.idx.msk [tilespmem:v1+s25+$0xFFFFFD70 ss:$0x1], $0xffff;
	_ =	sdelay $0x2  }
0x90: {  	v3 =	vmul.f32 $8.000000000e+00, v3;
	_ =	sdelay $0x1  }
0x91: {  	v3 =	vadd.f32 v42, v3;
	_ =	sdelay $0x1  }
0x92: {  	[tilespmem:v2+s25+$0xFFFFFD70 ss:$0x1] =	vst.idx.msk $0xffff, v3  }
0x93: {  	v3 =	vld.idx.msk [tilespmem:v0+s25+$0x130 ss:$0x1], $0xffff;
	_ =	sdelay $0x1  }
0x94: {  	v43 =	vld.idx.msk [tilespmem:v1+s25+$0xFFFFFD80 ss:$0x1], $0xffff;
	_ =	sdelay $0x2  }
0x95: {  	v3 =	vmul.f32 $8.000000000e+00, v3;
	_ =	sdelay $0x1  }
0x96: {  	v3 =	vadd.f32 v43, v3;
	_ =	sdelay $0x1  }
0x97: {  	[tilespmem:v2+s25+$0xFFFFFD80 ss:$0x1] =	vst.idx.msk $0xffff, v3  }
0x98: {  	v3 =	vld.idx.msk [tilespmem:v0+s25+$0x180 ss:$0x1], $0xffff;
	_ =	sdelay $0x1  }
0x99: {  	v44 =	vld.idx.msk [tilespmem:v1+s25+$0xFFFFFDD0 ss:$0x1], $0xffff;
	_ =	sdelay $0x2  }
0x9a: {  	v3 =	vmul.f32 $8.000000000e+00, v3;
	_ =	sdelay $0x1  }
0x9b: {  	v3 =	vadd.f32 v44, v3;
	_ =	sdelay $0x1  }
0x9c: {  	[tilespmem:v2+s25+$0xFFFFFDD0 ss:$0x1] =	vst.idx.msk $0xffff, v3  }
0x9d: {  	v3 =	vld.idx.msk [tilespmem:v0+s25+$0x190 ss:$0x1], $0xffff;
	_ =	sdelay $0x1  }
0x9e: {  	v45 =	vld.idx.msk [tilespmem:v1+s25+$0xFFFFFDE0 ss:$0x1], $0xffff;
	_ =	sdelay $0x2  }
0x9f: {  	v3 =	vmul.f32 $8.000000000e+00, v3;
	_ =	sdelay $0x1  }
0xa0: {  	v3 =	vadd.f32 v45, v3;
	_ =	sdelay $0x1  }
0xa1: {  	[tilespmem:v2+s25+$0xFFFFFDE0 ss:$0x1] =	vst.idx.msk $0xffff, v3  }
0xa2: {  	v3 =	vld.idx.msk [tilespmem:v0+s25+$0x1A0 ss:$0x1], $0xffff;
	_ =	sdelay $0x1  }
0xa3: {  	v46 =	vld.idx.msk [tilespmem:v1+s25+$0xFFFFFDF0 ss:$0x1], $0xffff;
	_ =	sdelay $0x2  }
0xa4: {  	v3 =	vmul.f32 $8.000000000e+00, v3;
	_ =	sdelay $0x1  }
0xa5: {  	v3 =	vadd.f32 v46, v3;
	_ =	sdelay $0x1  }
0xa6: {  	[tilespmem:v2+s25+$0xFFFFFDF0 ss:$0x1] =	vst.idx.msk $0xffff, v3  }
0xa7: {  	v3 =	vld.idx.msk [tilespmem:v0+s25+$0x1B0 ss:$0x1], $0xffff;
	_ =	sdelay $0x1  }
0xa8: {  	v47 =	vld.idx.msk [tilespmem:v1+s25+$0xFFFFFE00 ss:$0x1], $0xffff;
	_ =	sdelay $0x2  }
0xa9: {  	v3 =	vmul.f32 $8.000000000e+00, v3;
	_ =	sdelay $0x1  }
0xaa: {  	v3 =	vadd.f32 v47, v3;
	_ =	sdelay $0x1  }
0xab: {  	[tilespmem:v2+s25+$0xFFFFFE00 ss:$0x1] =	vst.idx.msk $0xffff, v3  }
0xac: {  	v3 =	vld.idx.msk [tilespmem:v0+s25+$0x200 ss:$0x1], $0xffff;
	_ =	sdelay $0x1  }
0xad: {  	v48 =	vld.idx.msk [tilespmem:v1+s25+$0xFFFFFE50 ss:$0x1], $0xffff;
	_ =	sdelay $0x2  }
0xae: {  	v3 =	vmul.f32 $8.000000000e+00, v3;
	_ =	sdelay $0x1  }
0xaf: {  	v3 =	vadd.f32 v48, v3;
	_ =	sdelay $0x1  }
0xb0: {  	[tilespmem:v2+s25+$0xFFFFFE50 ss:$0x1] =	vst.idx.msk $0xffff, v3  }
0xb1: {  	v3 =	vld.idx.msk [tilespmem:v0+s25+$0x210 ss:$0x1], $0xffff;
	_ =	sdelay $0x1  }
0xb2: {  	v49 =	vld.idx.msk [tilespmem:v1+s25+$0xFFFFFE60 ss:$0x1], $0xffff;
	_ =	sdelay $0x2  }
0xb3: {  	v3 =	vmul.f32 $8.000000000e+00, v3;
	_ =	sdelay $0x1  }
0xb4: {  	v3 =	vadd.f32 v49, v3;
	_ =	sdelay $0x1  }
0xb5: {  	[tilespmem:v2+s25+$0xFFFFFE60 ss:$0x1] =	vst.idx.msk $0xffff, v3  }
0xb6: {  	v3 =	vld.idx.msk [tilespmem:v0+s25+$0x220 ss:$0x1], $0xffff;
	_ =	sdelay $0x1  }
0xb7: {  	v50 =	vld.idx.msk [tilespmem:v1+s25+$0xFFFFFE70 ss:$0x1], $0xffff;
	_ =	sdelay $0x2  }
0xb8: {  	v3 =	vmul.f32 $8.000000000e+00, v3;
	_ =	sdelay $0x1  }
0xb9: {  	v3 =	vadd.f32 v50, v3;
	_ =	sdelay $0x1  }
0xba: {  	[tilespmem:v2+s25+$0xFFFFFE70 ss:$0x1] =	vst.idx.msk $0xffff, v3  }
0xbb: {  	v3 =	vld.idx.msk [tilespmem:v0+s25+$0x230 ss:$0x1], $0xffff;
	_ =	sdelay $0x1  }
0xbc: {  	v51 =	vld.idx.msk [tilespmem:v1+s25+$0xFFFFFE80 ss:$0x1], $0xffff;
	_ =	sdelay $0x2  }
0xbd: {  	v3 =	vmul.f32 $8.000000000e+00, v3;
	_ =	sdelay $0x1  }
0xbe: {  	v3 =	vadd.f32 v51, v3;
	_ =	sdelay $0x1  }
0xbf: {  	[tilespmem:v2+s25+$0xFFFFFE80 ss:$0x1] =	vst.idx.msk $0xffff, v3  }
0xc0: {  	v3 =	vld.idx.msk [tilespmem:v0+s25+$0x280 ss:$0x1], $0xffff;
	_ =	sdelay $0x1  }
0xc1: {  	v52 =	vld.idx.msk [tilespmem:v1+s25+$0xFFFFFED0 ss:$0x1], $0xffff;
	_ =	sdelay $0x2  }
0xc2: {  	v3 =	vmul.f32 $8.000000000e+00, v3;
	_ =	sdelay $0x1  }
0xc3: {  	v3 =	vadd.f32 v52, v3;
	_ =	sdelay $0x1  }
0xc4: {  	[tilespmem:v2+s25+$0xFFFFFED0 ss:$0x1] =	vst.idx.msk $0xffff, v3  }
0xc5: {  	v3 =	vld.idx.msk [tilespmem:v0+s25+$0x290 ss:$0x1], $0xffff;
	_ =	sdelay $0x1  }
0xc6: {  	v53 =	vld.idx.msk [tilespmem:v1+s25+$0xFFFFFEE0 ss:$0x1], $0xffff;
	_ =	sdelay $0x2  }
0xc7: {  	v3 =	vmul.f32 $8.000000000e+00, v3;
	_ =	sdelay $0x1  }
0xc8: {  	v3 =	vadd.f32 v53, v3;
	_ =	sdelay $0x1  }
0xc9: {  	[tilespmem:v2+s25+$0xFFFFFEE0 ss:$0x1] =	vst.idx.msk $0xffff, v3  }
0xca: {  	v3 =	vld.idx.msk [tilespmem:v0+s25+$0x2A0 ss:$0x1], $0xffff;
	_ =	sdelay $0x1  }
0xcb: {  	v54 =	vld.idx.msk [tilespmem:v1+s25+$0xFFFFFEF0 ss:$0x1], $0xffff;
	_ =	sdelay $0x2  }
0xcc: {  	v3 =	vmul.f32 $8.000000000e+00, v3;
	_ =	sdelay $0x1  }
0xcd: {  	v3 =	vadd.f32 v54, v3;
	_ =	sdelay $0x1  }
0xce: {  	[tilespmem:v2+s25+$0xFFFFFEF0 ss:$0x1] =	vst.idx.msk $0xffff, v3  }
0xcf: {  	v3 =	vld.idx.msk [tilespmem:v0+s25+$0x2B0 ss:$0x1], $0xffff;
	_ =	sdelay $0x1  }
0xd0: {  	v55 =	vld.idx.msk [tilespmem:v1+s25+$0xFFFFFF00 ss:$0x1], $0xffff;
	_ =	sdelay $0x2  }
0xd1: {  	v3 =	vmul.f32 $8.000000000e+00, v3;
	_ =	sdelay $0x1  }
0xd2: {  	v3 =	vadd.f32 v55, v3;
	_ =	sdelay $0x1  }
0xd3: {  	[tilespmem:v2+s25+$0xFFFFFF00 ss:$0x1] =	vst.idx.msk $0xffff, v3  }
0xd4: {  	v3 =	vld.idx.msk [tilespmem:v0+s25+$0x300 ss:$0x1], $0xffff;
	_ =	sdelay $0x1  }
0xd5: {  	v56 =	vld.idx.msk [tilespmem:v1+s25+$0xFFFFFF50 ss:$0x1], $0xffff;
	_ =	sdelay $0x2  }
0xd6: {  	v3 =	vmul.f32 $8.000000000e+00, v3;
	_ =	sdelay $0x1  }
0xd7: {  	v3 =	vadd.f32 v56, v3;
	_ =	sdelay $0x1  }
0xd8: {  	[tilespmem:v2+s25+$0xFFFFFF50 ss:$0x1] =	vst.idx.msk $0xffff, v3  }
0xd9: {  	v3 =	vld.idx.msk [tilespmem:v0+s25+$0x310 ss:$0x1], $0xffff;
	_ =	sdelay $0x1  }
0xda: {  	v57 =	vld.idx.msk [tilespmem:v1+s25+$0xFFFFFF60 ss:$0x1], $0xffff;
	_ =	sdelay $0x2  }
0xdb: {  	v3 =	vmul.f32 $8.000000000e+00, v3;
	_ =	sdelay $0x1  }
0xdc: {  	v3 =	vadd.f32 v57, v3;
	_ =	sdelay $0x1  }
0xdd: {  	[tilespmem:v2+s25+$0xFFFFFF60 ss:$0x1] =	vst.idx.msk $0xffff, v3  }
0xde: {  	v3 =	vld.idx.msk [tilespmem:v0+s25+$0x320 ss:$0x1], $0xffff;
	_ =	sdelay $0x1  }
0xdf: {  	v58 =	vld.idx.msk [tilespmem:v1+s25+$0xFFFFFF70 ss:$0x1], $0xffff;
	_ =	sdelay $0x2  }
0xe0: {  	v3 =	vmul.f32 $8.000000000e+00, v3;
	_ =	sdelay $0x1  }
0xe1: {  	v3 =	vadd.f32 v58, v3;
	_ =	sdelay $0x1  }
0xe2: {  	[tilespmem:v2+s25+$0xFFFFFF70 ss:$0x1] =	vst.idx.msk $0xffff, v3  }
0xe3: {  	v3 =	vld.idx.msk [tilespmem:v0+s25+$0x330 ss:$0x1], $0xffff;
	_ =	sdelay $0x1  }
0xe4: {  	v59 =	vld.idx.msk [tilespmem:v1+s25+$0xFFFFFF80 ss:$0x1], $0xffff;
	_ =	sdelay $0x2  }
0xe5: {  	v3 =	vmul.f32 $8.000000000e+00, v3;
	_ =	sdelay $0x1  }
0xe6: {  	v3 =	vadd.f32 v59, v3;
	_ =	sdelay $0x1  }
0xe7: {  	[tilespmem:v2+s25+$0xFFFFFF80 ss:$0x1] =	vst.idx.msk $0xffff, v3  }
0xe8: {  	v3 =	vld.idx.msk [tilespmem:v0+s25+$0x380 ss:$0x1], $0xffff;
	_ =	sdelay $0x1  }
0xe9: {  	v60 =	vld.idx.msk [tilespmem:v1+s25+$0xFFFFFFD0 ss:$0x1], $0xffff;
	_ =	sdelay $0x2  }
0xea: {  	v3 =	vmul.f32 $8.000000000e+00, v3;
	_ =	sdelay $0x1  }
0xeb: {  	v3 =	vadd.f32 v60, v3;
	_ =	sdelay $0x1  }
0xec: {  	[tilespmem:v2+s25+$0xFFFFFFD0 ss:$0x1] =	vst.idx.msk $0xffff, v3  }
0xed: {  	v3 =	vld.idx.msk [tilespmem:v0+s25+$0x390 ss:$0x1], $0xffff;
	_ =	sdelay $0x1  }
0xee: {  	v61 =	vld.idx.msk [tilespmem:v1+s25+$0xFFFFFFE0 ss:$0x1], $0xffff;
	_ =	sdelay $0x2  }
0xef: {  	v3 =	vmul.f32 $8.000000000e+00, v3;
	_ =	sdelay $0x1  }
0xf0: {  	v3 =	vadd.f32 v61, v3;
	_ =	sdelay $0x1  }
0xf1: {  	[tilespmem:v2+s25+$0xFFFFFFE0 ss:$0x1] =	vst.idx.msk $0xffff, v3  }
0xf2: {  	v3 =	vld.idx.msk [tilespmem:v0+s25+$0x3A0 ss:$0x1], $0xffff;
	_ =	sdelay $0x1  }
0xf3: {  	v62 =	vld.idx.msk [tilespmem:v1+s25+$0xFFFFFFF0 ss:$0x1], $0xffff;
	_ =	sdelay $0x2  }
0xf4: {  	v3 =	vmul.f32 $8.000000000e+00, v3;
	_ =	sdelay $0x1  }
0xf5: {  	v3 =	vadd.f32 v62, v3;
	_ =	sdelay $0x1  }
0xf6: {  	[tilespmem:v2+s25+$0xFFFFFFF0 ss:$0x1] =	vst.idx.msk $0xffff, v3  }
0xf7: {  	v3 =	vld.idx.msk [tilespmem:v0+s25+$0x3B0 ss:$0x1], $0xffff;
	_ =	sdelay $0x1  }
0xf8: {  	v63 =	vld.idx.msk [tilespmem:v1+s25+$0x0 ss:$0x1], $0xffff;
	_ =	sdelay $0x1  }
0xf9: {  	p1 =	sne.s32 s21, $0xF000  }
.Ltmp4:
0xfa: {  	v3 =	vmul.f32 $8.000000000e+00, v3;
	(pc) =	sbr.rel @p1 .LBB2_3-.Ltmp4, $3  }
0xfb: {  	_ = 	snop  }
0xfc: {  	v3 =	vadd.f32 v63, v3;
	_ =	sdelay $0x1  }
0xfd: {  	s21 =	sadd.s32 $0x1000, s21;
	[tilespmem:v2+s25+$0x0 ss:$0x1] =	vst.idx.msk $0xffff, v3  }
0xfe: {  	p1 =	sgt.u32 s1, $0xC2  }
.Ltmp5:
0xff: {  	_ = 	snop;
	(pc) =	sbr.rel @!p1 .LBB2_5-.Ltmp5, $4  }
0x100: {  	_ = 	snop  }
0x101: {  	s9 =	sshll.u32 s20, $0xB  }
0x102: {  	s3 =	sor.u32 $0xA, s3;
	s9 =	sadd.s32 s7, s9  }
0x103: {  	[hbm4b:s9+s4] =	stream.linear.scatter [tilespmem:s19], [sflag:s3], $0x4000, $0x38;
	[tilespmem:$0x1E800] =	vst v63  }
0x104: {  	p1 =	sgt.u32 s1, $0xC5  }
.Ltmp6:
0x105: {  	_ = 	snop;
	(pc) =	sbr.rel @p1 .LBB2_8-.Ltmp6, $4  }
.Ltmp7:
0x106: {  	_ = 	snop;
	(pc) =	sbr.rel @!p1 .LBB2_7-.Ltmp7, $4  }
0x107: {  	_ = 	snop  }
0x108: {  	_ = 	snop  }
0x109: {  	_ = 	snop  }
0x10a: {  	_ = 	snop  }
.LBB2_10:
0x10b: {  	_ =	sfence.sel $0x180000  }
0x10c: {  	[bflag:$0x0] =	sbarrier.arrive $0xFFFF  }
0x10d: {  	_ =	strace $0x90000047  }
0x10e: {  	s0 =	stileid.u32;
	[bflag:$0x2] =	sbarrier.arrive $0xFFFF  }
0x10f: {  	p0 =	sne.s32 s0, $0x0;
	s0 =	rddreg [dreg:$0x2]  }
0x110: {  	s0 =	sadd.s32 @!p0 $0x100000, s0  }
0x111: {  	[sflag:s0] =	ssyncadd.tile.s32 @!p0 $0x1;
	_ =	shalt  }
.Lfunc_end2:
_tile_overlayer_lowered:
.L_overlay_start_2:
0x112: {  	(tag) =	ssettag $0x2  }
0x113: {  	s0 =	rddreg [dreg:$0x0];
	s2 =	stileid.u32  }
0x114: {  	s1 =	rddreg [dreg:$0x1];
	p0 =	sne.s32 s2, $0x0  }
0x115: {  	s3 =	rddreg [dreg:$0x2];
	[bflag:$0x3] =	sbarrier.arrive $0xFFFF;
	s2 =	simm.s32 @!p0 $0x1C0C  }
0x116: {  	[timem:s3], [sflag:s2] =	dma.local @!p0 [hbm:s0], s1  }
0x117: {  	s0 =	simm.s32 @!p0 $0xC  }
0x118: {  	_ =	swait.ge @!p0 [sflag:s0], s1  }
0x119: {  	s1 =	ssub.s32 @!p0 $0x0, s1;
	[sflag:s0] =	ssyncset.done @!p0 $0x0  }
0x11a: {  	[sflag:s0] =	ssyncadd.s32 @!p0 s1  }
0x11b: {  	[bflag:$0x3] =	sbarrier.arrive $0xFFFF  }
0x11c: {  	_ =	shalt  }

</sc_bundles>
